<compile_context>
chip_gen: v7x
topology: tpu7x:2x2x1
jax: 0.10.2.dev20260603
libtpu: 0.0.44.dev20260713+nightly
codegen_flags: <defaults>
</compile_context>

<pallas_src>
import functools

import jax
import jax.numpy as jnp
from jax import lax
from jax.experimental import pallas as pl
from jax.experimental.pallas import tpu as pltpu
from jax.experimental.pallas import tpu_sc as plsc

H = 512
W = 512
C = 3
B = 32
NSEG = 100
NSEG_PAD = 112
NPIX = H * W
NELEM = NPIX * C
NTILES = 32
PIX_PER_TILE = NPIX // NTILES
BPG = 2


_MESH = plsc.VectorSubcoreMesh(core_axis_name="c", subcore_axis_name="s")


@functools.partial(
    pl.kernel,
    mesh=_MESH,
    compiler_params=pltpu.CompilerParams(needs_layout_passes=False),
    out_type=jax.ShapeDtypeStruct((NPIX,), jnp.int32),
    scratch_types=[
        pltpu.VMEM((B * NSEG_PAD,), jnp.int32),
        pltpu.VMEM((NSEG_PAD,), jnp.int32),
        pltpu.VMEM((PIX_PER_TILE,), jnp.int32),
        pltpu.VMEM((PIX_PER_TILE,), jnp.int32),
        pltpu.SemaphoreType.DMA,
    ],
)
def _sc_wordmask(seg_hbm, masks_hbm, wm_hbm,
                 masks_v, lut_v, seg_v, wm_v, seg_sem):
    wid = lax.axis_index("s") * 2 + lax.axis_index("c")

    seg_cp = pltpu.async_copy(
        seg_hbm.at[pl.ds(wid * PIX_PER_TILE, PIX_PER_TILE)], seg_v, seg_sem)

    pltpu.sync_copy(masks_hbm, masks_v)
    for g in range(NSEG_PAD // 16):
        word = jnp.zeros((16,), jnp.int32)
        for b in range(B):
            word = word | (masks_v[pl.ds(b * NSEG_PAD + g * 16, 16)] << b)
        lut_v[pl.ds(g * 16, 16)] = word

    seg_cp.wait()

    @plsc.parallel_loop(0, PIX_PER_TILE, step=16, unroll=8)
    def gather_body(j):
        segv = seg_v[pl.ds(j, 16)]
        wm_v[pl.ds(j, 16)] = plsc.load_gather(lut_v, [segv])
    pltpu.sync_copy(wm_v, wm_hbm.at[pl.ds(wid * PIX_PER_TILE, PIX_PER_TILE)])


def _tc_body(img_ref, wm_ref, out_ref, mean_ref):
    i = pl.program_id(0)
    img = img_ref[...]
    wm = wm_ref[...]

    @pl.when(i == 0)
    def _():
        mean_ref[0] = jnp.sum(img) * (1.0 / NELEM)

    mean = mean_ref[0]
    for u in range(BPG):
        bit = jnp.left_shift(jnp.int32(1), BPG * i + u)
        m = (wm & bit) != 0
        out_ref[u] = jnp.where(m[None], mean, img)


_tc_select = pl.pallas_call(
    _tc_body,
    grid=(B // BPG,),
    in_specs=[
        pl.BlockSpec((C, H, W), lambda i: (0, 0, 0)),
        pl.BlockSpec((H, W), lambda i: (0, 0)),
    ],
    out_specs=pl.BlockSpec((BPG, C, H, W), lambda i: (i, 0, 0, 0)),
    out_shape=jax.ShapeDtypeStruct((B, C, H, W), jnp.float32),
    scratch_shapes=[pltpu.SMEM((1,), jnp.float32)],
)


def kernel(image, segments, masks):
    masks_i = jnp.pad(masks.astype(jnp.int32),
                      ((0, 0), (0, NSEG_PAD - NSEG)))
    seg_lin = (segments.reshape(H // 8, 8, W // 128, 128)
               .transpose(0, 2, 1, 3).reshape(-1))
    wm_lin = _sc_wordmask(seg_lin, masks_i.reshape(-1))
    wm = (wm_lin.reshape(H // 8, W // 128, 8, 128)
          .transpose(0, 2, 1, 3).reshape(H, W))
    out_p = _tc_select(image.transpose(2, 0, 1), wm)
    return out_p.transpose(0, 2, 3, 1)

# --- scband reference (transcript-rebuilt; emitter-appended) ---
"""Pipeline reference for scband-super-pixler-27195732918544 (READ-ONLY COPY).

The authoritative reference and input builder live on the scoring server;
editing this copy changes nothing except your own understanding.
"""

import jax, jax.numpy as jnp
import numpy as np


def setup_inputs(seed: int = 0) -> dict:
    key = jax.random.key(seed)
    k1, k2, k3 = jax.random.split(key, 3)
    # image: H x W x 3, float in [0,1) like a normalized RGB image
    image = jax.random.uniform(k1, (512, 512, 3), dtype=jnp.float32)
    # segments: precomputed SLIC segmentation labels in [0, num_segments)
    # (slic() is a CPU preprocessing step in the original module __init__;
    #  here we materialize an equivalent label map directly)
    segments = jax.random.randint(k2, (512, 512), 0, 100, dtype=jnp.int32)
    # masks: batch of boolean superpixel masks [n_outputs, num_segments]
    masks = jax.random.randint(k3, (32, 100), 0, 2, dtype=jnp.int32).astype(bool)
    return {"image": image, "segments": segments, "masks": masks}


def reference(image, segments, masks):
    # mean_color = self.image.mean() in __init__
    mean_color = image.mean()
    masks = masks.astype(bool)
    # For each output b and each pixel p: pixel is overwritten iff
    # masks[b, segments[p]] is True. This is a gather of the per-segment
    # mask over the segment label map, followed by a masked overwrite
    # (scatter-style write of mean_color into masked pixels of each copy).
    pix_mask = jnp.take(masks, segments, axis=1)  # [B, H, W]
    outputs = jnp.where(pix_mask[..., None], mean_color, image[None, :, :, :])
    return outputs

if __name__ == "__main__":
    import jax
    _d = setup_inputs()
    print(jax.jit(kernel)(*tuple(_d.values())))

</pallas_src>

<mosaic_0001>
#map = affine_map<(d0, d1) -> (0)>
module attributes {stable_mosaic.version = 14 : i64} {
  func.func @_sc_wordmask(%arg0: i32, %arg1: i32, %arg2: memref<262144xi32, #tpu.memory_space<hbm>>, %arg3: memref<3584xi32, #tpu.memory_space<hbm>>, %arg4: memref<262144xi32, #tpu.memory_space<hbm>>, %arg5: memref<3584xi32, #tpu.memory_space<vmem>>, %arg6: memref<112xi32, #tpu.memory_space<vmem>>, %arg7: memref<8192xi32, #tpu.memory_space<vmem>>, %arg8: memref<8192xi32, #tpu.memory_space<vmem>>, %arg9: memref<!tpu.dma_semaphore, #tpu.memory_space<semaphore_mem>>) attributes {dimension_semantics = [#tpu.dimension_semantics<core_parallel>, #tpu.dimension_semantics<subcore_parallel>], iteration_bounds = array<i64: 2, 16>, scalar_prefetch = 0 : i64, scratch_operands = 5 : i64, tpu.core_type = #tpu.core_type<sc_vector_subcore>, window_params = [{transform_indices = #map}, {transform_indices = #map}, {transform_indices = #map}]} {
    %mul3A = arith.constant 2 : i32
    %mul3A_0 = arith.muli %arg1, %mul3A : i32
    %add3A = arith.addi %mul3A_0, %arg0 : i32
    %mul3A_1 = arith.constant 8192 : i32
    %mul3A_2 = arith.muli %add3A, %mul3A_1 : i32
    %dma_start3A = tpu.memref_slice %arg2[%mul3A_2] : memref<262144xi32, #tpu.memory_space<hbm>> -> memref<8192xi32, #tpu.memory_space<hbm>>
    %dma_start3A_3 = tpu.memref_slice %arg2[%mul3A_2] : memref<262144xi32, #tpu.memory_space<hbm>> -> memref<8192xi32, #tpu.memory_space<hbm>>
    tpu.enqueue_dma source(%dma_start3A_3 : memref<8192xi32, #tpu.memory_space<hbm>>) target(%arg7 : memref<8192xi32, #tpu.memory_space<vmem>>) target_semaphore(%arg9 : memref<!tpu.dma_semaphore, #tpu.memory_space<semaphore_mem>>)
    "tpu.region"() ({
      %run_scoped3A = tpu.sem_alloc : memref<!tpu.dma_semaphore, #tpu.memory_space<semaphore_mem>>
      tpu.enqueue_dma source(%arg3 : memref<3584xi32, #tpu.memory_space<hbm>>) target(%arg5 : memref<3584xi32, #tpu.memory_space<vmem>>) target_semaphore(%run_scoped3A : memref<!tpu.dma_semaphore, #tpu.memory_space<semaphore_mem>>)
      tpu.wait_dma2 semaphore(%run_scoped3A : memref<!tpu.dma_semaphore, #tpu.memory_space<semaphore_mem>>) src(%arg3 : memref<3584xi32, #tpu.memory_space<hbm>>) dst(%arg5 : memref<3584xi32, #tpu.memory_space<vmem>>)
      tpu.yield
    }) : () -> ()
    %broadcast_in_dim3A = arith.constant 0 : i32
    %broadcast_in_dim3A_4 = vector.broadcast %broadcast_in_dim3A : i32 to vector<16xi32>
    %get3A = arith.constant 0 : index
    %get3A_5 = tpu.vector_load %arg5[%get3A] {strides = array<i32>} : memref<3584xi32, #tpu.memory_space<vmem>>, vector<16xi32>,
    %shift_left3A = arith.constant 0 : i32
    %shift_left3A_6 = vector.broadcast %shift_left3A : i32 to vector<16xi32>
    %shift_left3A_7 = arith.shli %get3A_5, %shift_left3A_6 : vector<16xi32>
    %or3A = arith.ori %broadcast_in_dim3A_4, %shift_left3A_7 : vector<16xi32>
    %get3A_8 = arith.constant 112 : index
    %get3A_9 = tpu.vector_load %arg5[%get3A_8] {strides = array<i32>} : memref<3584xi32, #tpu.memory_space<vmem>>, vector<16xi32>,
    %shift_left3A_10 = arith.constant 1 : i32
    %shift_left3A_11 = vector.broadcast %shift_left3A_10 : i32 to vector<16xi32>
    %shift_left3A_12 = arith.shli %get3A_9, %shift_left3A_11 : vector<16xi32>
    %or3A_13 = arith.ori %or3A, %shift_left3A_12 : vector<16xi32>
    %get3A_14 = arith.constant 224 : index
    %get3A_15 = tpu.vector_load %arg5[%get3A_14] {strides = array<i32>} : memref<3584xi32, #tpu.memory_space<vmem>>, vector<16xi32>,
    %shift_left3A_16 = arith.constant 2 : i32
    %shift_left3A_17 = vector.broadcast %shift_left3A_16 : i32 to vector<16xi32>
    %shift_left3A_18 = arith.shli %get3A_15, %shift_left3A_17 : vector<16xi32>
    %or3A_19 = arith.ori %or3A_13, %shift_left3A_18 : vector<16xi32>
    %get3A_20 = arith.constant 336 : index
    %get3A_21 = tpu.vector_load %arg5[%get3A_20] {strides = array<i32>} : memref<3584xi32, #tpu.memory_space<vmem>>, vector<16xi32>,
    %shift_left3A_22 = arith.constant 3 : i32
    %shift_left3A_23 = vector.broadcast %shift_left3A_22 : i32 to vector<16xi32>
    %shift_left3A_24 = arith.shli %get3A_21, %shift_left3A_23 : vector<16xi32>
    %or3A_25 = arith.ori %or3A_19, %shift_left3A_24 : vector<16xi32>
    %get3A_26 = arith.constant 448 : index
    %get3A_27 = tpu.vector_load %arg5[%get3A_26] {strides = array<i32>} : memref<3584xi32, #tpu.memory_space<vmem>>, vector<16xi32>,
    %shift_left3A_28 = arith.constant 4 : i32
    %shift_left3A_29 = vector.broadcast %shift_left3A_28 : i32 to vector<16xi32>
    %shift_left3A_30 = arith.shli %get3A_27, %shift_left3A_29 : vector<16xi32>
    %or3A_31 = arith.ori %or3A_25, %shift_left3A_30 : vector<16xi32>
    %get3A_32 = arith.constant 560 : index
    %get3A_33 = tpu.vector_load %arg5[%get3A_32] {strides = array<i32>} : memref<3584xi32, #tpu.memory_space<vmem>>, vector<16xi32>,
    %shift_left3A_34 = arith.constant 5 : i32
    %shift_left3A_35 = vector.broadcast %shift_left3A_34 : i32 to vector<16xi32>
    %shift_left3A_36 = arith.shli %get3A_33, %shift_left3A_35 : vector<16xi32>
    %or3A_37 = arith.ori %or3A_31, %shift_left3A_36 : vector<16xi32>
    %get3A_38 = arith.constant 672 : index
    %get3A_39 = tpu.vector_load %arg5[%get3A_38] {strides = array<i32>} : memref<3584xi32, #tpu.memory_space<vmem>>, vector<16xi32>,
    %shift_left3A_40 = arith.constant 6 : i32
    %shift_left3A_41 = vector.broadcast %shift_left3A_40 : i32 to vector<16xi32>
    %shift_left3A_42 = arith.shli %get3A_39, %shift_left3A_41 : vector<16xi32>
    %or3A_43 = arith.ori %or3A_37, %shift_left3A_42 : vector<16xi32>
    %get3A_44 = arith.constant 784 : index
    %get3A_45 = tpu.vector_load %arg5[%get3A_44] {strides = array<i32>} : memref<3584xi32, #tpu.memory_space<vmem>>, vector<16xi32>,
    %shift_left3A_46 = arith.constant 7 : i32
    %shift_left3A_47 = vector.broadcast %shift_left3A_46 : i32 to vector<16xi32>
    %shift_left3A_48 = arith.shli %get3A_45, %shift_left3A_47 : vector<16xi32>
    %or3A_49 = arith.ori %or3A_43, %shift_left3A_48 : vector<16xi32>
    %get3A_50 = arith.constant 896 : index
    %get3A_51 = tpu.vector_load %arg5[%get3A_50] {strides = array<i32>} : memref<3584xi32, #tpu.memory_space<vmem>>, vector<16xi32>,
    %shift_left3A_52 = arith.constant 8 : i32
    %shift_left3A_53 = vector.broadcast %shift_left3A_52 : i32 to vector<16xi32>
    %shift_left3A_54 = arith.shli %get3A_51, %shift_left3A_53 : vector<16xi32>
    %or3A_55 = arith.ori %or3A_49, %shift_left3A_54 : vector<16xi32>
    %get3A_56 = arith.constant 1008 : index
    %get3A_57 = tpu.vector_load %arg5[%get3A_56] {strides = array<i32>} : memref<3584xi32, #tpu.memory_space<vmem>>, vector<16xi32>,
    %shift_left3A_58 = arith.constant 9 : i32
    %shift_left3A_59 = vector.broadcast %shift_left3A_58 : i32 to vector<16xi32>
    %shift_left3A_60 = arith.shli %get3A_57, %shift_left3A_59 : vector<16xi32>
    %or3A_61 = arith.ori %or3A_55, %shift_left3A_60 : vector<16xi32>
    %get3A_62 = arith.constant 1120 : index
    %get3A_63 = tpu.vector_load %arg5[%get3A_62] {strides = array<i32>} : memref<3584xi32, #tpu.memory_space<vmem>>, vector<16xi32>,
    %shift_left3A_64 = arith.constant 10 : i32
    %shift_left3A_65 = vector.broadcast %shift_left3A_64 : i32 to vector<16xi32>
    %shift_left3A_66 = arith.shli %get3A_63, %shift_left3A_65 : vector<16xi32>
    %or3A_67 = arith.ori %or3A_61, %shift_left3A_66 : vector<16xi32>
    %get3A_68 = arith.constant 1232 : index
    %get3A_69 = tpu.vector_load %arg5[%get3A_68] {strides = array<i32>} : memref<3584xi32, #tpu.memory_space<vmem>>, vector<16xi32>,
    %shift_left3A_70 = arith.constant 11 : i32
    %shift_left3A_71 = vector.broadcast %shift_left3A_70 : i32 to vector<16xi32>
    %shift_left3A_72 = arith.shli %get3A_69, %shift_left3A_71 : vector<16xi32>
    %or3A_73 = arith.ori %or3A_67, %shift_left3A_72 : vector<16xi32>
    %get3A_74 = arith.constant 1344 : index
    %get3A_75 = tpu.vector_load %arg5[%get3A_74] {strides = array<i32>} : memref<3584xi32, #tpu.memory_space<vmem>>, vector<16xi32>,
    %shift_left3A_76 = arith.constant 12 : i32
    %shift_left3A_77 = vector.broadcast %shift_left3A_76 : i32 to vector<16xi32>
    %shift_left3A_78 = arith.shli %get3A_75, %shift_left3A_77 : vector<16xi32>
    %or3A_79 = arith.ori %or3A_73, %shift_left3A_78 : vector<16xi32>
    %get3A_80 = arith.constant 1456 : index
    %get3A_81 = tpu.vector_load %arg5[%get3A_80] {strides = array<i32>} : memref<3584xi32, #tpu.memory_space<vmem>>, vector<16xi32>,
    %shift_left3A_82 = arith.constant 13 : i32
    %shift_left3A_83 = vector.broadcast %shift_left3A_82 : i32 to vector<16xi32>
    %shift_left3A_84 = arith.shli %get3A_81, %shift_left3A_83 : vector<16xi32>
    %or3A_85 = arith.ori %or3A_79, %shift_left3A_84 : vector<16xi32>
    %get3A_86 = arith.constant 1568 : index
    %get3A_87 = tpu.vector_load %arg5[%get3A_86] {strides = array<i32>} : memref<3584xi32, #tpu.memory_space<vmem>>, vector<16xi32>,
    %shift_left3A_88 = arith.constant 14 : i32
    %shift_left3A_89 = vector.broadcast %shift_left3A_88 : i32 to vector<16xi32>
    %shift_left3A_90 = arith.shli %get3A_87, %shift_left3A_89 : vector<16xi32>
    %or3A_91 = arith.ori %or3A_85, %shift_left3A_90 : vector<16xi32>
    %get3A_92 = arith.constant 1680 : index
    %get3A_93 = tpu.vector_load %arg5[%get3A_92] {strides = array<i32>} : memref<3584xi32, #tpu.memory_space<vmem>>, vector<16xi32>,
    %shift_left3A_94 = arith.constant 15 : i32
    %shift_left3A_95 = vector.broadcast %shift_left3A_94 : i32 to vector<16xi32>
    %shift_left3A_96 = arith.shli %get3A_93, %shift_left3A_95 : vector<16xi32>
    %or3A_97 = arith.ori %or3A_91, %shift_left3A_96 : vector<16xi32>
    %get3A_98 = arith.constant 1792 : index
    %get3A_99 = tpu.vector_load %arg5[%get3A_98] {strides = array<i32>} : memref<3584xi32, #tpu.memory_space<vmem>>, vector<16xi32>,
    %shift_left3A_100 = arith.constant 16 : i32
    %shift_left3A_101 = vector.broadcast %shift_left3A_100 : i32 to vector<16xi32>
    %shift_left3A_102 = arith.shli %get3A_99, %shift_left3A_101 : vector<16xi32>
    %or3A_103 = arith.ori %or3A_97, %shift_left3A_102 : vector<16xi32>
    %get3A_104 = arith.constant 1904 : index
    %get3A_105 = tpu.vector_load %arg5[%get3A_104] {strides = array<i32>} : memref<3584xi32, #tpu.memory_space<vmem>>, vector<16xi32>,
    %shift_left3A_106 = arith.constant 17 : i32
    %shift_left3A_107 = vector.broadcast %shift_left3A_106 : i32 to vector<16xi32>
    %shift_left3A_108 = arith.shli %get3A_105, %shift_left3A_107 : vector<16xi32>
    %or3A_109 = arith.ori %or3A_103, %shift_left3A_108 : vector<16xi32>
    %get3A_110 = arith.constant 2016 : index
    %get3A_111 = tpu.vector_load %arg5[%get3A_110] {strides = array<i32>} : memref<3584xi32, #tpu.memory_space<vmem>>, vector<16xi32>,
    %shift_left3A_112 = arith.constant 18 : i32
    %shift_left3A_113 = vector.broadcast %shift_left3A_112 : i32 to vector<16xi32>
    %shift_left3A_114 = arith.shli %get3A_111, %shift_left3A_113 : vector<16xi32>
    %or3A_115 = arith.ori %or3A_109, %shift_left3A_114 : vector<16xi32>
    %get3A_116 = arith.constant 2128 : index
    %get3A_117 = tpu.vector_load %arg5[%get3A_116] {strides = array<i32>} : memref<3584xi32, #tpu.memory_space<vmem>>, vector<16xi32>,
    %shift_left3A_118 = arith.constant 19 : i32
    %shift_left3A_119 = vector.broadcast %shift_left3A_118 : i32 to vector<16xi32>
    %shift_left3A_120 = arith.shli %get3A_117, %shift_left3A_119 : vector<16xi32>
    %or3A_121 = arith.ori %or3A_115, %shift_left3A_120 : vector<16xi32>
    %get3A_122 = arith.constant 2240 : index
    %get3A_123 = tpu.vector_load %arg5[%get3A_122] {strides = array<i32>} : memref<3584xi32, #tpu.memory_space<vmem>>, vector<16xi32>,
    %shift_left3A_124 = arith.constant 20 : i32
    %shift_left3A_125 = vector.broadcast %shift_left3A_124 : i32 to vector<16xi32>
    %shift_left3A_126 = arith.shli %get3A_123, %shift_left3A_125 : vector<16xi32>
    %or3A_127 = arith.ori %or3A_121, %shift_left3A_126 : vector<16xi32>
    %get3A_128 = arith.constant 2352 : index
    %get3A_129 = tpu.vector_load %arg5[%get3A_128] {strides = array<i32>} : memref<3584xi32, #tpu.memory_space<vmem>>, vector<16xi32>,
    %shift_left3A_130 = arith.constant 21 : i32
    %shift_left3A_131 = vector.broadcast %shift_left3A_130 : i32 to vector<16xi32>
    %shift_left3A_132 = arith.shli %get3A_129, %shift_left3A_131 : vector<16xi32>
    %or3A_133 = arith.ori %or3A_127, %shift_left3A_132 : vector<16xi32>
    %get3A_134 = arith.constant 2464 : index
    %get3A_135 = tpu.vector_load %arg5[%get3A_134] {strides = array<i32>} : memref<3584xi32, #tpu.memory_space<vmem>>, vector<16xi32>,
    %shift_left3A_136 = arith.constant 22 : i32
    %shift_left3A_137 = vector.broadcast %shift_left3A_136 : i32 to vector<16xi32>
    %shift_left3A_138 = arith.shli %get3A_135, %shift_left3A_137 : vector<16xi32>
    %or3A_139 = arith.ori %or3A_133, %shift_left3A_138 : vector<16xi32>
    %get3A_140 = arith.constant 2576 : index
    %get3A_141 = tpu.vector_load %arg5[%get3A_140] {strides = array<i32>} : memref<3584xi32, #tpu.memory_space<vmem>>, vector<16xi32>,
    %shift_left3A_142 = arith.constant 23 : i32
    %shift_left3A_143 = vector.broadcast %shift_left3A_142 : i32 to vector<16xi32>
    %shift_left3A_144 = arith.shli %get3A_141, %shift_left3A_143 : vector<16xi32>
    %or3A_145 = arith.ori %or3A_139, %shift_left3A_144 : vector<16xi32>
    %get3A_146 = arith.constant 2688 : index
    %get3A_147 = tpu.vector_load %arg5[%get3A_146] {strides = array<i32>} : memref<3584xi32, #tpu.memory_space<vmem>>, vector<16xi32>,
    %shift_left3A_148 = arith.constant 24 : i32
    %shift_left3A_149 = vector.broadcast %shift_left3A_148 : i32 to vector<16xi32>
    %shift_left3A_150 = arith.shli %get3A_147, %shift_left3A_149 : vector<16xi32>
    %or3A_151 = arith.ori %or3A_145, %shift_left3A_150 : vector<16xi32>
    %get3A_152 = arith.constant 2800 : index
    %get3A_153 = tpu.vector_load %arg5[%get3A_152] {strides = array<i32>} : memref<3584xi32, #tpu.memory_space<vmem>>, vector<16xi32>,
    %shift_left3A_154 = arith.constant 25 : i32
    %shift_left3A_155 = vector.broadcast %shift_left3A_154 : i32 to vector<16xi32>
    %shift_left3A_156 = arith.shli %get3A_153, %shift_left3A_155 : vector<16xi32>
    %or3A_157 = arith.ori %or3A_151, %shift_left3A_156 : vector<16xi32>
    %get3A_158 = arith.constant 2912 : index
    %get3A_159 = tpu.vector_load %arg5[%get3A_158] {strides = array<i32>} : memref<3584xi32, #tpu.memory_space<vmem>>, vector<16xi32>,
    %shift_left3A_160 = arith.constant 26 : i32
    %shift_left3A_161 = vector.broadcast %shift_left3A_160 : i32 to vector<16xi32>
    %shift_left3A_162 = arith.shli %get3A_159, %shift_left3A_161 : vector<16xi32>
    %or3A_163 = arith.ori %or3A_157, %shift_left3A_162 : vector<16xi32>
    %get3A_164 = arith.constant 3024 : index
    %get3A_165 = tpu.vector_load %arg5[%get3A_164] {strides = array<i32>} : memref<3584xi32, #tpu.memory_space<vmem>>, vector<16xi32>,
    %shift_left3A_166 = arith.constant 27 : i32
    %shift_left3A_167 = vector.broadcast %shift_left3A_166 : i32 to vector<16xi32>
    %shift_left3A_168 = arith.shli %get3A_165, %shift_left3A_167 : vector<16xi32>
    %or3A_169 = arith.ori %or3A_163, %shift_left3A_168 : vector<16xi32>
    %get3A_170 = arith.constant 3136 : index
    %get3A_171 = tpu.vector_load %arg5[%get3A_170] {strides = array<i32>} : memref<3584xi32, #tpu.memory_space<vmem>>, vector<16xi32>,
    %shift_left3A_172 = arith.constant 28 : i32
    %shift_left3A_173 = vector.broadcast %shift_left3A_172 : i32 to vector<16xi32>
    %shift_left3A_174 = arith.shli %get3A_171, %shift_left3A_173 : vector<16xi32>
    %or3A_175 = arith.ori %or3A_169, %shift_left3A_174 : vector<16xi32>
    %get3A_176 = arith.constant 3248 : index
    %get3A_177 = tpu.vector_load %arg5[%get3A_176] {strides = array<i32>} : memref<3584xi32, #tpu.memory_space<vmem>>, vector<16xi32>,
    %shift_left3A_178 = arith.constant 29 : i32
    %shift_left3A_179 = vector.broadcast %shift_left3A_178 : i32 to vector<16xi32>
    %shift_left3A_180 = arith.shli %get3A_177, %shift_left3A_179 : vector<16xi32>
    %or3A_181 = arith.ori %or3A_175, %shift_left3A_180 : vector<16xi32>
    %get3A_182 = arith.constant 3360 : index
    %get3A_183 = tpu.vector_load %arg5[%get3A_182] {strides = array<i32>} : memref<3584xi32, #tpu.memory_space<vmem>>, vector<16xi32>,
    %shift_left3A_184 = arith.constant 30 : i32
    %shift_left3A_185 = vector.broadcast %shift_left3A_184 : i32 to vector<16xi32>
    %shift_left3A_186 = arith.shli %get3A_183, %shift_left3A_185 : vector<16xi32>
    %or3A_187 = arith.ori %or3A_181, %shift_left3A_186 : vector<16xi32>
    %get3A_188 = arith.constant 3472 : index
    %get3A_189 = tpu.vector_load %arg5[%get3A_188] {strides = array<i32>} : memref<3584xi32, #tpu.memory_space<vmem>>, vector<16xi32>,
    %shift_left3A_190 = arith.constant 31 : i32
    %shift_left3A_191 = vector.broadcast %shift_left3A_190 : i32 to vector<16xi32>
    %shift_left3A_192 = arith.shli %get3A_189, %shift_left3A_191 : vector<16xi32>
    %or3A_193 = arith.ori %or3A_187, %shift_left3A_192 : vector<16xi32>
    %swap3A = arith.constant 0 : index
    %swap3A_194 = tpu.vector_load %arg6[%swap3A] {strides = array<i32>} : memref<112xi32, #tpu.memory_space<vmem>>, vector<16xi32>,
    tpu.vector_store %arg6[%swap3A], %or3A_193 {strides = array<i32>} : memref<112xi32, #tpu.memory_space<vmem>>, vector<16xi32>,
    %broadcast_in_dim3A_195 = arith.constant 0 : i32
    %broadcast_in_dim3A_196 = vector.broadcast %broadcast_in_dim3A_195 : i32 to vector<16xi32>
    %get3A_197 = arith.constant 16 : index
    %get3A_198 = tpu.vector_load %arg5[%get3A_197] {strides = array<i32>} : memref<3584xi32, #tpu.memory_space<vmem>>, vector<16xi32>,
    %shift_left3A_199 = arith.constant 0 : i32
    %shift_left3A_200 = vector.broadcast %shift_left3A_199 : i32 to vector<16xi32>
    %shift_left3A_201 = arith.shli %get3A_198, %shift_left3A_200 : vector<16xi32>
    %or3A_202 = arith.ori %broadcast_in_dim3A_196, %shift_left3A_201 : vector<16xi32>
    %get3A_203 = arith.constant 128 : index
    %get3A_204 = tpu.vector_load %arg5[%get3A_203] {strides = array<i32>} : memref<3584xi32, #tpu.memory_space<vmem>>, vector<16xi32>,
    %shift_left3A_205 = arith.constant 1 : i32
    %shift_left3A_206 = vector.broadcast %shift_left3A_205 : i32 to vector<16xi32>
    %shift_left3A_207 = arith.shli %get3A_204, %shift_left3A_206 : vector<16xi32>
    %or3A_208 = arith.ori %or3A_202, %shift_left3A_207 : vector<16xi32>
    %get3A_209 = arith.constant 240 : index
    %get3A_210 = tpu.vector_load %arg5[%get3A_209] {strides = array<i32>} : memref<3584xi32, #tpu.memory_space<vmem>>, vector<16xi32>,
    %shift_left3A_211 = arith.constant 2 : i32
    %shift_left3A_212 = vector.broadcast %shift_left3A_211 : i32 to vector<16xi32>
    %shift_left3A_213 = arith.shli %get3A_210, %shift_left3A_212 : vector<16xi32>
    %or3A_214 = arith.ori %or3A_208, %shift_left3A_213 : vector<16xi32>
    %get3A_215 = arith.constant 352 : index
    %get3A_216 = tpu.vector_load %arg5[%get3A_215] {strides = array<i32>} : memref<3584xi32, #tpu.memory_space<vmem>>, vector<16xi32>,
    %shift_left3A_217 = arith.constant 3 : i32
    %shift_left3A_218 = vector.broadcast %shift_left3A_217 : i32 to vector<16xi32>
    %shift_left3A_219 = arith.shli %get3A_216, %shift_left3A_218 : vector<16xi32>
    %or3A_220 = arith.ori %or3A_214, %shift_left3A_219 : vector<16xi32>
    %get3A_221 = arith.constant 464 : index
    %get3A_222 = tpu.vector_load %arg5[%get3A_221] {strides = array<i32>} : memref<3584xi32, #tpu.memory_space<vmem>>, vector<16xi32>,
    %shift_left3A_223 = arith.constant 4 : i32
    %shift_left3A_224 = vector.broadcast %shift_left3A_223 : i32 to vector<16xi32>
    %shift_left3A_225 = arith.shli %get3A_222, %shift_left3A_224 : vector<16xi32>
    %or3A_226 = arith.ori %or3A_220, %shift_left3A_225 : vector<16xi32>
    %get3A_227 = arith.constant 576 : index
    %get3A_228 = tpu.vector_load %arg5[%get3A_227] {strides = array<i32>} : memref<3584xi32, #tpu.memory_space<vmem>>, vector<16xi32>,
    %shift_left3A_229 = arith.constant 5 : i32
    %shift_left3A_230 = vector.broadcast %shift_left3A_229 : i32 to vector<16xi32>
    %shift_left3A_231 = arith.shli %get3A_228, %shift_left3A_230 : vector<16xi32>
    %or3A_232 = arith.ori %or3A_226, %shift_left3A_231 : vector<16xi32>
    %get3A_233 = arith.constant 688 : index
    %get3A_234 = tpu.vector_load %arg5[%get3A_233] {strides = array<i32>} : memref<3584xi32, #tpu.memory_space<vmem>>, vector<16xi32>,
    %shift_left3A_235 = arith.constant 6 : i32
    %shift_left3A_236 = vector.broadcast %shift_left3A_235 : i32 to vector<16xi32>
    %shift_left3A_237 = arith.shli %get3A_234, %shift_left3A_236 : vector<16xi32>
    %or3A_238 = arith.ori %or3A_232, %shift_left3A_237 : vector<16xi32>
    %get3A_239 = arith.constant 800 : index
    %get3A_240 = tpu.vector_load %arg5[%get3A_239] {strides = array<i32>} : memref<3584xi32, #tpu.memory_space<vmem>>, vector<16xi32>,
    %shift_left3A_241 = arith.constant 7 : i32
    %shift_left3A_242 = vector.broadcast %shift_left3A_241 : i32 to vector<16xi32>
    %shift_left3A_243 = arith.shli %get3A_240, %shift_left3A_242 : vector<16xi32>
    %or3A_244 = arith.ori %or3A_238, %shift_left3A_243 : vector<16xi32>
    %get3A_245 = arith.constant 912 : index
    %get3A_246 = tpu.vector_load %arg5[%get3A_245] {strides = array<i32>} : memref<3584xi32, #tpu.memory_space<vmem>>, vector<16xi32>,
    %shift_left3A_247 = arith.constant 8 : i32
    %shift_left3A_248 = vector.broadcast %shift_left3A_247 : i32 to vector<16xi32>
    %shift_left3A_249 = arith.shli %get3A_246, %shift_left3A_248 : vector<16xi32>
    %or3A_250 = arith.ori %or3A_244, %shift_left3A_249 : vector<16xi32>
    %get3A_251 = arith.constant 1024 : index
    %get3A_252 = tpu.vector_load %arg5[%get3A_251] {strides = array<i32>} : memref<3584xi32, #tpu.memory_space<vmem>>, vector<16xi32>,
    %shift_left3A_253 = arith.constant 9 : i32
    %shift_left3A_254 = vector.broadcast %shift_left3A_253 : i32 to vector<16xi32>
    %shift_left3A_255 = arith.shli %get3A_252, %shift_left3A_254 : vector<16xi32>
    %or3A_256 = arith.ori %or3A_250, %shift_left3A_255 : vector<16xi32>
    %get3A_257 = arith.constant 1136 : index
    %get3A_258 = tpu.vector_load %arg5[%get3A_257] {strides = array<i32>} : memref<3584xi32, #tpu.memory_space<vmem>>, vector<16xi32>,
    %shift_left3A_259 = arith.constant 10 : i32
    %shift_left3A_260 = vector.broadcast %shift_left3A_259 : i32 to vector<16xi32>
    %shift_left3A_261 = arith.shli %get3A_258, %shift_left3A_260 : vector<16xi32>
    %or3A_262 = arith.ori %or3A_256, %shift_left3A_261 : vector<16xi32>
    %get3A_263 = arith.constant 1248 : index
    %get3A_264 = tpu.vector_load %arg5[%get3A_263] {strides = array<i32>} : memref<3584xi32, #tpu.memory_space<vmem>>, vector<16xi32>,
    %shift_left3A_265 = arith.constant 11 : i32
    %shift_left3A_266 = vector.broadcast %shift_left3A_265 : i32 to vector<16xi32>
    %shift_left3A_267 = arith.shli %get3A_264, %shift_left3A_266 : vector<16xi32>
    %or3A_268 = arith.ori %or3A_262, %shift_left3A_267 : vector<16xi32>
    %get3A_269 = arith.constant 1360 : index
    %get3A_270 = tpu.vector_load %arg5[%get3A_269] {strides = array<i32>} : memref<3584xi32, #tpu.memory_space<vmem>>, vector<16xi32>,
    %shift_left3A_271 = arith.constant 12 : i32
    %shift_left3A_272 = vector.broadcast %shift_left3A_271 : i32 to vector<16xi32>
    %shift_left3A_273 = arith.shli %get3A_270, %shift_left3A_272 : vector<16xi32>
    %or3A_274 = arith.ori %or3A_268, %shift_left3A_273 : vector<16xi32>
    %get3A_275 = arith.constant 1472 : index
    %get3A_276 = tpu.vector_load %arg5[%get3A_275] {strides = array<i32>} : memref<3584xi32, #tpu.memory_space<vmem>>, vector<16xi32>,
    %shift_left3A_277 = arith.constant 13 : i32
    %shift_left3A_278 = vector.broadcast %shift_left3A_277 : i32 to vector<16xi32>
    %shift_left3A_279 = arith.shli %get3A_276, %shift_left3A_278 : vector<16xi32>
    %or3A_280 = arith.ori %or3A_274, %shift_left3A_279 : vector<16xi32>
    %get3A_281 = arith.constant 1584 : index
    %get3A_282 = tpu.vector_load %arg5[%get3A_281] {strides = array<i32>} : memref<3584xi32, #tpu.memory_space<vmem>>, vector<16xi32>,
    %shift_left3A_283 = arith.constant 14 : i32
    %shift_left3A_284 = vector.broadcast %shift_left3A_283 : i32 to vector<16xi32>
    %shift_left3A_285 = arith.shli %get3A_282, %shift_left3A_284 : vector<16xi32>
    %or3A_286 = arith.ori %or3A_280, %shift_left3A_285 : vector<16xi32>
    %get3A_287 = arith.constant 1696 : index
    %get3A_288 = tpu.vector_load %arg5[%get3A_287] {strides = array<i32>} : memref<3584xi32, #tpu.memory_space<vmem>>, vector<16xi32>,
    %shift_left3A_289 = arith.constant 15 : i32
    %shift_left3A_290 = vector.broadcast %shift_left3A_289 : i32 to vector<16xi32>
    %shift_left3A_291 = arith.shli %get3A_288, %shift_left3A_290 : vector<16xi32>
    %or3A_292 = arith.ori %or3A_286, %shift_left3A_291 : vector<16xi32>
    %get3A_293 = arith.constant 1808 : index
    %get3A_294 = tpu.vector_load %arg5[%get3A_293] {strides = array<i32>} : memref<3584xi32, #tpu.memory_space<vmem>>, vector<16xi32>,
    %shift_left3A_295 = arith.constant 16 : i32
    %shift_left3A_296 = vector.broadcast %shift_left3A_295 : i32 to vector<16xi32>
    %shift_left3A_297 = arith.shli %get3A_294, %shift_left3A_296 : vector<16xi32>
    %or3A_298 = arith.ori %or3A_292, %shift_left3A_297 : vector<16xi32>
    %get3A_299 = arith.constant 1920 : index
    %get3A_300 = tpu.vector_load %arg5[%get3A_299] {strides = array<i32>} : memref<3584xi32, #tpu.memory_space<vmem>>, vector<16xi32>,
    %shift_left3A_301 = arith.constant 17 : i32
    %shift_left3A_302 = vector.broadcast %shift_left3A_301 : i32 to vector<16xi32>
    %shift_left3A_303 = arith.shli %get3A_300, %shift_left3A_302 : vector<16xi32>
    %or3A_304 = arith.ori %or3A_298, %shift_left3A_303 : vector<16xi32>
    %get3A_305 = arith.constant 2032 : index
    %get3A_306 = tpu.vector_load %arg5[%get3A_305] {strides = array<i32>} : memref<3584xi32, #tpu.memory_space<vmem>>, vector<16xi32>,
    %shift_left3A_307 = arith.constant 18 : i32
    %shift_left3A_308 = vector.broadcast %shift_left3A_307 : i32 to vector<16xi32>
    %shift_left3A_309 = arith.shli %get3A_306, %shift_left3A_308 : vector<16xi32>
    %or3A_310 = arith.ori %or3A_304, %shift_left3A_309 : vector<16xi32>
    %get3A_311 = arith.constant 2144 : index
    %get3A_312 = tpu.vector_load %arg5[%get3A_311] {strides = array<i32>} : memref<3584xi32, #tpu.memory_space<vmem>>, vector<16xi32>,
    %shift_left3A_313 = arith.constant 19 : i32
    %shift_left3A_314 = vector.broadcast %shift_left3A_313 : i32 to vector<16xi32>
    %shift_left3A_315 = arith.shli %get3A_312, %shift_left3A_314 : vector<16xi32>
    %or3A_316 = arith.ori %or3A_310, %shift_left3A_315 : vector<16xi32>
    %get3A_317 = arith.constant 2256 : index
    %get3A_318 = tpu.vector_load %arg5[%get3A_317] {strides = array<i32>} : memref<3584xi32, #tpu.memory_space<vmem>>, vector<16xi32>,
    %shift_left3A_319 = arith.constant 20 : i32
    %shift_left3A_320 = vector.broadcast %shift_left3A_319 : i32 to vector<16xi32>
    %shift_left3A_321 = arith.shli %get3A_318, %shift_left3A_320 : vector<16xi32>
    %or3A_322 = arith.ori %or3A_316, %shift_left3A_321 : vector<16xi32>
    %get3A_323 = arith.constant 2368 : index
    %get3A_324 = tpu.vector_load %arg5[%get3A_323] {strides = array<i32>} : memref<3584xi32, #tpu.memory_space<vmem>>, vector<16xi32>,
    %shift_left3A_325 = arith.constant 21 : i32
    %shift_left3A_326 = vector.broadcast %shift_left3A_325 : i32 to vector<16xi32>
    %shift_left3A_327 = arith.shli %get3A_324, %shift_left3A_326 : vector<16xi32>
    %or3A_328 = arith.ori %or3A_322, %shift_left3A_327 : vector<16xi32>
    %get3A_329 = arith.constant 2480 : index
    %get3A_330 = tpu.vector_load %arg5[%get3A_329] {strides = array<i32>} : memref<3584xi32, #tpu.memory_space<vmem>>, vector<16xi32>,
    %shift_left3A_331 = arith.constant 22 : i32
    %shift_left3A_332 = vector.broadcast %shift_left3A_331 : i32 to vector<16xi32>
    %shift_left3A_333 = arith.shli %get3A_330, %shift_left3A_332 : vector<16xi32>
    %or3A_334 = arith.ori %or3A_328, %shift_left3A_333 : vector<16xi32>
    %get3A_335 = arith.constant 2592 : index
    %get3A_336 = tpu.vector_load %arg5[%get3A_335] {strides = array<i32>} : memref<3584xi32, #tpu.memory_space<vmem>>, vector<16xi32>,
    %shift_left3A_337 = arith.constant 23 : i32
    %shift_left3A_338 = vector.broadcast %shift_left3A_337 : i32 to vector<16xi32>
    %shift_left3A_339 = arith.shli %get3A_336, %shift_left3A_338 : vector<16xi32>
    %or3A_340 = arith.ori %or3A_334, %shift_left3A_339 : vector<16xi32>
    %get3A_341 = arith.constant 2704 : index
    %get3A_342 = tpu.vector_load %arg5[%get3A_341] {strides = array<i32>} : memref<3584xi32, #tpu.memory_space<vmem>>, vector<16xi32>,
    %shift_left3A_343 = arith.constant 24 : i32
    %shift_left3A_344 = vector.broadcast %shift_left3A_343 : i32 to vector<16xi32>
    %shift_left3A_345 = arith.shli %get3A_342, %shift_left3A_344 : vector<16xi32>
    %or3A_346 = arith.ori %or3A_340, %shift_left3A_345 : vector<16xi32>
    %get3A_347 = arith.constant 2816 : index
    %get3A_348 = tpu.vector_load %arg5[%get3A_347] {strides = array<i32>} : memref<3584xi32, #tpu.memory_space<vmem>>, vector<16xi32>,
    %shift_left3A_349 = arith.constant 25 : i32
    %shift_left3A_350 = vector.broadcast %shift_left3A_349 : i32 to vector<16xi32>
    %shift_left3A_351 = arith.shli %get3A_348, %shift_left3A_350 : vector<16xi32>
    %or3A_352 = arith.ori %or3A_346, %shift_left3A_351 : vector<16xi32>
    %get3A_353 = arith.constant 2928 : index
    %get3A_354 = tpu.vector_load %arg5[%get3A_353] {strides = array<i32>} : memref<3584xi32, #tpu.memory_space<vmem>>, vector<16xi32>,
    %shift_left3A_355 = arith.constant 26 : i32
    %shift_left3A_356 = vector.broadcast %shift_left3A_355 : i32 to vector<16xi32>
    %shift_left3A_357 = arith.shli %get3A_354, %shift_left3A_356 : vector<16xi32>
    %or3A_358 = arith.ori %or3A_352, %shift_left3A_357 : vector<16xi32>
    %get3A_359 = arith.constant 3040 : index
    %get3A_360 = tpu.vector_load %arg5[%get3A_359] {strides = array<i32>} : memref<3584xi32, #tpu.memory_space<vmem>>, vector<16xi32>,
    %shift_left3A_361 = arith.constant 27 : i32
    %shift_left3A_362 = vector.broadcast %shift_left3A_361 : i32 to vector<16xi32>
    %shift_left3A_363 = arith.shli %get3A_360, %shift_left3A_362 : vector<16xi32>
    %or3A_364 = arith.ori %or3A_358, %shift_left3A_363 : vector<16xi32>
    %get3A_365 = arith.constant 3152 : index
    %get3A_366 = tpu.vector_load %arg5[%get3A_365] {strides = array<i32>} : memref<3584xi32, #tpu.memory_space<vmem>>, vector<16xi32>,
    %shift_left3A_367 = arith.constant 28 : i32
    %shift_left3A_368 = vector.broadcast %shift_left3A_367 : i32 to vector<16xi32>
    %shift_left3A_369 = arith.shli %get3A_366, %shift_left3A_368 : vector<16xi32>
    %or3A_370 = arith.ori %or3A_364, %shift_left3A_369 : vector<16xi32>
    %get3A_371 = arith.constant 3264 : index
    %get3A_372 = tpu.vector_load %arg5[%get3A_371] {strides = array<i32>} : memref<3584xi32, #tpu.memory_space<vmem>>, vector<16xi32>,
    %shift_left3A_373 = arith.constant 29 : i32
    %shift_left3A_374 = vector.broadcast %shift_left3A_373 : i32 to vector<16xi32>
    %shift_left3A_375 = arith.shli %get3A_372, %shift_left3A_374 : vector<16xi32>
    %or3A_376 = arith.ori %or3A_370, %shift_left3A_375 : vector<16xi32>
    %get3A_377 = arith.constant 3376 : index
    %get3A_378 = tpu.vector_load %arg5[%get3A_377] {strides = array<i32>} : memref<3584xi32, #tpu.memory_space<vmem>>, vector<16xi32>,
    %shift_left3A_379 = arith.constant 30 : i32
    %shift_left3A_380 = vector.broadcast %shift_left3A_379 : i32 to vector<16xi32>
    %shift_left3A_381 = arith.shli %get3A_378, %shift_left3A_380 : vector<16xi32>
    %or3A_382 = arith.ori %or3A_376, %shift_left3A_381 : vector<16xi32>
    %get3A_383 = arith.constant 3488 : index
    %get3A_384 = tpu.vector_load %arg5[%get3A_383] {strides = array<i32>} : memref<3584xi32, #tpu.memory_space<vmem>>, vector<16xi32>,
    %shift_left3A_385 = arith.constant 31 : i32
    %shift_left3A_386 = vector.broadcast %shift_left3A_385 : i32 to vector<16xi32>
    %shift_left3A_387 = arith.shli %get3A_384, %shift_left3A_386 : vector<16xi32>
    %or3A_388 = arith.ori %or3A_382, %shift_left3A_387 : vector<16xi32>
    %swap3A_389 = arith.constant 16 : index
    %swap3A_390 = tpu.vector_load %arg6[%swap3A_389] {strides = array<i32>} : memref<112xi32, #tpu.memory_space<vmem>>, vector<16xi32>,
    tpu.vector_store %arg6[%swap3A_389], %or3A_388 {strides = array<i32>} : memref<112xi32, #tpu.memory_space<vmem>>, vector<16xi32>,
    %broadcast_in_dim3A_391 = arith.constant 0 : i32
    %broadcast_in_dim3A_392 = vector.broadcast %broadcast_in_dim3A_391 : i32 to vector<16xi32>
    %get3A_393 = arith.constant 32 : index
    %get3A_394 = tpu.vector_load %arg5[%get3A_393] {strides = array<i32>} : memref<3584xi32, #tpu.memory_space<vmem>>, vector<16xi32>,
    %shift_left3A_395 = arith.constant 0 : i32
    %shift_left3A_396 = vector.broadcast %shift_left3A_395 : i32 to vector<16xi32>
    %shift_left3A_397 = arith.shli %get3A_394, %shift_left3A_396 : vector<16xi32>
    %or3A_398 = arith.ori %broadcast_in_dim3A_392, %shift_left3A_397 : vector<16xi32>
    %get3A_399 = arith.constant 144 : index
    %get3A_400 = tpu.vector_load %arg5[%get3A_399] {strides = array<i32>} : memref<3584xi32, #tpu.memory_space<vmem>>, vector<16xi32>,
    %shift_left3A_401 = arith.constant 1 : i32
    %shift_left3A_402 = vector.broadcast %shift_left3A_401 : i32 to vector<16xi32>
    %shift_left3A_403 = arith.shli %get3A_400, %shift_left3A_402 : vector<16xi32>
    %or3A_404 = arith.ori %or3A_398, %shift_left3A_403 : vector<16xi32>
    %get3A_405 = arith.constant 256 : index
    %get3A_406 = tpu.vector_load %arg5[%get3A_405] {strides = array<i32>} : memref<3584xi32, #tpu.memory_space<vmem>>, vector<16xi32>,
    %shift_left3A_407 = arith.constant 2 : i32
    %shift_left3A_408 = vector.broadcast %shift_left3A_407 : i32 to vector<16xi32>
    %shift_left3A_409 = arith.shli %get3A_406, %shift_left3A_408 : vector<16xi32>
    %or3A_410 = arith.ori %or3A_404, %shift_left3A_409 : vector<16xi32>
    %get3A_411 = arith.constant 368 : index
    %get3A_412 = tpu.vector_load %arg5[%get3A_411] {strides = array<i32>} : memref<3584xi32, #tpu.memory_space<vmem>>, vector<16xi32>,
    %shift_left3A_413 = arith.constant 3 : i32
    %shift_left3A_414 = vector.broadcast %shift_left3A_413 : i32 to vector<16xi32>
    %shift_left3A_415 = arith.shli %get3A_412, %shift_left3A_414 : vector<16xi32>
    %or3A_416 = arith.ori %or3A_410, %shift_left3A_415 : vector<16xi32>
    %get3A_417 = arith.constant 480 : index
    %get3A_418 = tpu.vector_load %arg5[%get3A_417] {strides = array<i32>} : memref<3584xi32, #tpu.memory_space<vmem>>, vector<16xi32>,
    %shift_left3A_419 = arith.constant 4 : i32
    %shift_left3A_420 = vector.broadcast %shift_left3A_419 : i32 to vector<16xi32>
    %shift_left3A_421 = arith.shli %get3A_418, %shift_left3A_420 : vector<16xi32>
    %or3A_422 = arith.ori %or3A_416, %shift_left3A_421 : vector<16xi32>
    %get3A_423 = arith.constant 592 : index
    %get3A_424 = tpu.vector_load %arg5[%get3A_423] {strides = array<i32>} : memref<3584xi32, #tpu.memory_space<vmem>>, vector<16xi32>,
    %shift_left3A_425 = arith.constant 5 : i32
    %shift_left3A_426 = vector.broadcast %shift_left3A_425 : i32 to vector<16xi32>
    %shift_left3A_427 = arith.shli %get3A_424, %shift_left3A_426 : vector<16xi32>
    %or3A_428 = arith.ori %or3A_422, %shift_left3A_427 : vector<16xi32>
    %get3A_429 = arith.constant 704 : index
    %get3A_430 = tpu.vector_load %arg5[%get3A_429] {strides = array<i32>} : memref<3584xi32, #tpu.memory_space<vmem>>, vector<16xi32>,
    %shift_left3A_431 = arith.constant 6 : i32
    %shift_left3A_432 = vector.broadcast %shift_left3A_431 : i32 to vector<16xi32>
    %shift_left3A_433 = arith.shli %get3A_430, %shift_left3A_432 : vector<16xi32>
    %or3A_434 = arith.ori %or3A_428, %shift_left3A_433 : vector<16xi32>
    %get3A_435 = arith.constant 816 : index
    %get3A_436 = tpu.vector_load %arg5[%get3A_435] {strides = array<i32>} : memref<3584xi32, #tpu.memory_space<vmem>>, vector<16xi32>,
    %shift_left3A_437 = arith.constant 7 : i32
    %shift_left3A_438 = vector.broadcast %shift_left3A_437 : i32 to vector<16xi32>
    %shift_left3A_439 = arith.shli %get3A_436, %shift_left3A_438 : vector<16xi32>
    %or3A_440 = arith.ori %or3A_434, %shift_left3A_439 : vector<16xi32>
    %get3A_441 = arith.constant 928 : index
    %get3A_442 = tpu.vector_load %arg5[%get3A_441] {strides = array<i32>} : memref<3584xi32, #tpu.memory_space<vmem>>, vector<16xi32>,
    %shift_left3A_443 = arith.constant 8 : i32
    %shift_left3A_444 = vector.broadcast %shift_left3A_443 : i32 to vector<16xi32>
    %shift_left3A_445 = arith.shli %get3A_442, %shift_left3A_444 : vector<16xi32>
    %or3A_446 = arith.ori %or3A_440, %shift_left3A_445 : vector<16xi32>
    %get3A_447 = arith.constant 1040 : index
    %get3A_448 = tpu.vector_load %arg5[%get3A_447] {strides = array<i32>} : memref<3584xi32, #tpu.memory_space<vmem>>, vector<16xi32>,
    %shift_left3A_449 = arith.constant 9 : i32
    %shift_left3A_450 = vector.broadcast %shift_left3A_449 : i32 to vector<16xi32>
    %shift_left3A_451 = arith.shli %get3A_448, %shift_left3A_450 : vector<16xi32>
    %or3A_452 = arith.ori %or3A_446, %shift_left3A_451 : vector<16xi32>
    %get3A_453 = arith.constant 1152 : index
    %get3A_454 = tpu.vector_load %arg5[%get3A_453] {strides = array<i32>} : memref<3584xi32, #tpu.memory_space<vmem>>, vector<16xi32>,
    %shift_left3A_455 = arith.constant 10 : i32
    %shift_left3A_456 = vector.broadcast %shift_left3A_455 : i32 to vector<16xi32>
    %shift_left3A_457 = arith.shli %get3A_454, %shift_left3A_456 : vector<16xi32>
    %or3A_458 = arith.ori %or3A_452, %shift_left3A_457 : vector<16xi32>
    %get3A_459 = arith.constant 1264 : index
    %get3A_460 = tpu.vector_load %arg5[%get3A_459] {strides = array<i32>} : memref<3584xi32, #tpu.memory_space<vmem>>, vector<16xi32>,
    %shift_left3A_461 = arith.constant 11 : i32
    %shift_left3A_462 = vector.broadcast %shift_left3A_461 : i32 to vector<16xi32>
    %shift_left3A_463 = arith.shli %get3A_460, %shift_left3A_462 : vector<16xi32>
    %or3A_464 = arith.ori %or3A_458, %shift_left3A_463 : vector<16xi32>
    %get3A_465 = arith.constant 1376 : index
    %get3A_466 = tpu.vector_load %arg5[%get3A_465] {strides = array<i32>} : memref<3584xi32, #tpu.memory_space<vmem>>, vector<16xi32>,
    %shift_left3A_467 = arith.constant 12 : i32
    %shift_left3A_468 = vector.broadcast %shift_left3A_467 : i32 to vector<16xi32>
    %shift_left3A_469 = arith.shli %get3A_466, %shift_left3A_468 : vector<16xi32>
    %or3A_470 = arith.ori %or3A_464, %shift_left3A_469 : vector<16xi32>
    %get3A_471 = arith.constant 1488 : index
    %get3A_472 = tpu.vector_load %arg5[%get3A_471] {strides = array<i32>} : memref<3584xi32, #tpu.memory_space<vmem>>, vector<16xi32>,
    %shift_left3A_473 = arith.constant 13 : i32
    %shift_left3A_474 = vector.broadcast %shift_left3A_473 : i32 to vector<16xi32>
    %shift_left3A_475 = arith.shli %get3A_472, %shift_left3A_474 : vector<16xi32>
    %or3A_476 = arith.ori %or3A_470, %shift_left3A_475 : vector<16xi32>
    %get3A_477 = arith.constant 1600 : index
    %get3A_478 = tpu.vector_load %arg5[%get3A_477] {strides = array<i32>} : memref<3584xi32, #tpu.memory_space<vmem>>, vector<16xi32>,
    %shift_left3A_479 = arith.constant 14 : i32
    %shift_left3A_480 = vector.broadcast %shift_left3A_479 : i32 to vector<16xi32>
    %shift_left3A_481 = arith.shli %get3A_478, %shift_left3A_480 : vector<16xi32>
    %or3A_482 = arith.ori %or3A_476, %shift_left3A_481 : vector<16xi32>
    %get3A_483 = arith.constant 1712 : index
    %get3A_484 = tpu.vector_load %arg5[%get3A_483] {strides = array<i32>} : memref<3584xi32, #tpu.memory_space<vmem>>, vector<16xi32>,
    %shift_left3A_485 = arith.constant 15 : i32
    %shift_left3A_486 = vector.broadcast %shift_left3A_485 : i32 to vector<16xi32>
    %shift_left3A_487 = arith.shli %get3A_484, %shift_left3A_486 : vector<16xi32>
    %or3A_488 = arith.ori %or3A_482, %shift_left3A_487 : vector<16xi32>
    %get3A_489 = arith.constant 1824 : index
    %get3A_490 = tpu.vector_load %arg5[%get3A_489] {strides = array<i32>} : memref<3584xi32, #tpu.memory_space<vmem>>, vector<16xi32>,
    %shift_left3A_491 = arith.constant 16 : i32
    %shift_left3A_492 = vector.broadcast %shift_left3A_491 : i32 to vector<16xi32>
    %shift_left3A_493 = arith.shli %get3A_490, %shift_left3A_492 : vector<16xi32>
    %or3A_494 = arith.ori %or3A_488, %shift_left3A_493 : vector<16xi32>
    %get3A_495 = arith.constant 1936 : index
    %get3A_496 = tpu.vector_load %arg5[%get3A_495] {strides = array<i32>} : memref<3584xi32, #tpu.memory_space<vmem>>, vector<16xi32>,
    %shift_left3A_497 = arith.constant 17 : i32
    %shift_left3A_498 = vector.broadcast %shift_left3A_497 : i32 to vector<16xi32>
    %shift_left3A_499 = arith.shli %get3A_496, %shift_left3A_498 : vector<16xi32>
    %or3A_500 = arith.ori %or3A_494, %shift_left3A_499 : vector<16xi32>
    %get3A_501 = arith.constant 2048 : index
    %get3A_502 = tpu.vector_load %arg5[%get3A_501] {strides = array<i32>} : memref<3584xi32, #tpu.memory_space<vmem>>, vector<16xi32>,
    %shift_left3A_503 = arith.constant 18 : i32
    %shift_left3A_504 = vector.broadcast %shift_left3A_503 : i32 to vector<16xi32>
    %shift_left3A_505 = arith.shli %get3A_502, %shift_left3A_504 : vector<16xi32>
    %or3A_506 = arith.ori %or3A_500, %shift_left3A_505 : vector<16xi32>
    %get3A_507 = arith.constant 2160 : index
    %get3A_508 = tpu.vector_load %arg5[%get3A_507] {strides = array<i32>} : memref<3584xi32, #tpu.memory_space<vmem>>, vector<16xi32>,
    %shift_left3A_509 = arith.constant 19 : i32
    %shift_left3A_510 = vector.broadcast %shift_left3A_509 : i32 to vector<16xi32>
    %shift_left3A_511 = arith.shli %get3A_508, %shift_left3A_510 : vector<16xi32>
    %or3A_512 = arith.ori %or3A_506, %shift_left3A_511 : vector<16xi32>
    %get3A_513 = arith.constant 2272 : index
    %get3A_514 = tpu.vector_load %arg5[%get3A_513] {strides = array<i32>} : memref<3584xi32, #tpu.memory_space<vmem>>, vector<16xi32>,
    %shift_left3A_515 = arith.constant 20 : i32
    %shift_left3A_516 = vector.broadcast %shift_left3A_515 : i32 to vector<16xi32>
    %shift_left3A_517 = arith.shli %get3A_514, %shift_left3A_516 : vector<16xi32>
    %or3A_518 = arith.ori %or3A_512, %shift_left3A_517 : vector<16xi32>
    %get3A_519 = arith.constant 2384 : index
    %get3A_520 = tpu.vector_load %arg5[%get3A_519] {strides = array<i32>} : memref<3584xi32, #tpu.memory_space<vmem>>, vector<16xi32>,
    %shift_left3A_521 = arith.constant 21 : i32
    %shift_left3A_522 = vector.broadcast %shift_left3A_521 : i32 to vector<16xi32>
    %shift_left3A_523 = arith.shli %get3A_520, %shift_left3A_522 : vector<16xi32>
    %or3A_524 = arith.ori %or3A_518, %shift_left3A_523 : vector<16xi32>
    %get3A_525 = arith.constant 2496 : index
    %get3A_526 = tpu.vector_load %arg5[%get3A_525] {strides = array<i32>} : memref<3584xi32, #tpu.memory_space<vmem>>, vector<16xi32>,
    %shift_left3A_527 = arith.constant 22 : i32
    %shift_left3A_528 = vector.broadcast %shift_left3A_527 : i32 to vector<16xi32>
    %shift_left3A_529 = arith.shli %get3A_526, %shift_left3A_528 : vector<16xi32>
    %or3A_530 = arith.ori %or3A_524, %shift_left3A_529 : vector<16xi32>
    %get3A_531 = arith.constant 2608 : index
    %get3A_532 = tpu.vector_load %arg5[%get3A_531] {strides = array<i32>} : memref<3584xi32, #tpu.memory_space<vmem>>, vector<16xi32>,
    %shift_left3A_533 = arith.constant 23 : i32
    %shift_left3A_534 = vector.broadcast %shift_left3A_533 : i32 to vector<16xi32>
    %shift_left3A_535 = arith.shli %get3A_532, %shift_left3A_534 : vector<16xi32>
    %or3A_536 = arith.ori %or3A_530, %shift_left3A_535 : vector<16xi32>
    %get3A_537 = arith.constant 2720 : index
    %get3A_538 = tpu.vector_load %arg5[%get3A_537] {strides = array<i32>} : memref<3584xi32, #tpu.memory_space<vmem>>, vector<16xi32>,
    %shift_left3A_539 = arith.constant 24 : i32
    %shift_left3A_540 = vector.broadcast %shift_left3A_539 : i32 to vector<16xi32>
    %shift_left3A_541 = arith.shli %get3A_538, %shift_left3A_540 : vector<16xi32>
    %or3A_542 = arith.ori %or3A_536, %shift_left3A_541 : vector<16xi32>
    %get3A_543 = arith.constant 2832 : index
    %get3A_544 = tpu.vector_load %arg5[%get3A_543] {strides = array<i32>} : memref<3584xi32, #tpu.memory_space<vmem>>, vector<16xi32>,
    %shift_left3A_545 = arith.constant 25 : i32
    %shift_left3A_546 = vector.broadcast %shift_left3A_545 : i32 to vector<16xi32>
    %shift_left3A_547 = arith.shli %get3A_544, %shift_left3A_546 : vector<16xi32>
    %or3A_548 = arith.ori %or3A_542, %shift_left3A_547 : vector<16xi32>
    %get3A_549 = arith.constant 2944 : index
    %get3A_550 = tpu.vector_load %arg5[%get3A_549] {strides = array<i32>} : memref<3584xi32, #tpu.memory_space<vmem>>, vector<16xi32>,
    %shift_left3A_551 = arith.constant 26 : i32
    %shift_left3A_552 = vector.broadcast %shift_left3A_551 : i32 to vector<16xi32>
    %shift_left3A_553 = arith.shli %get3A_550, %shift_left3A_552 : vector<16xi32>
    %or3A_554 = arith.ori %or3A_548, %shift_left3A_553 : vector<16xi32>
    %get3A_555 = arith.constant 3056 : index
    %get3A_556 = tpu.vector_load %arg5[%get3A_555] {strides = array<i32>} : memref<3584xi32, #tpu.memory_space<vmem>>, vector<16xi32>,
    %shift_left3A_557 = arith.constant 27 : i32
    %shift_left3A_558 = vector.broadcast %shift_left3A_557 : i32 to vector<16xi32>
    %shift_left3A_559 = arith.shli %get3A_556, %shift_left3A_558 : vector<16xi32>
    %or3A_560 = arith.ori %or3A_554, %shift_left3A_559 : vector<16xi32>
    %get3A_561 = arith.constant 3168 : index
    %get3A_562 = tpu.vector_load %arg5[%get3A_561] {strides = array<i32>} : memref<3584xi32, #tpu.memory_space<vmem>>, vector<16xi32>,
    %shift_left3A_563 = arith.constant 28 : i32
    %shift_left3A_564 = vector.broadcast %shift_left3A_563 : i32 to vector<16xi32>
    %shift_left3A_565 = arith.shli %get3A_562, %shift_left3A_564 : vector<16xi32>
    %or3A_566 = arith.ori %or3A_560, %shift_left3A_565 : vector<16xi32>
    %get3A_567 = arith.constant 3280 : index
    %get3A_568 = tpu.vector_load %arg5[%get3A_567] {strides = array<i32>} : memref<3584xi32, #tpu.memory_space<vmem>>, vector<16xi32>,
    %shift_left3A_569 = arith.constant 29 : i32
    %shift_left3A_570 = vector.broadcast %shift_left3A_569 : i32 to vector<16xi32>
    %shift_left3A_571 = arith.shli %get3A_568, %shift_left3A_570 : vector<16xi32>
    %or3A_572 = arith.ori %or3A_566, %shift_left3A_571 : vector<16xi32>
    %get3A_573 = arith.constant 3392 : index
    %get3A_574 = tpu.vector_load %arg5[%get3A_573] {strides = array<i32>} : memref<3584xi32, #tpu.memory_space<vmem>>, vector<16xi32>,
    %shift_left3A_575 = arith.constant 30 : i32
    %shift_left3A_576 = vector.broadcast %shift_left3A_575 : i32 to vector<16xi32>
    %shift_left3A_577 = arith.shli %get3A_574, %shift_left3A_576 : vector<16xi32>
    %or3A_578 = arith.ori %or3A_572, %shift_left3A_577 : vector<16xi32>
    %get3A_579 = arith.constant 3504 : index
    %get3A_580 = tpu.vector_load %arg5[%get3A_579] {strides = array<i32>} : memref<3584xi32, #tpu.memory_space<vmem>>, vector<16xi32>,
    %shift_left3A_581 = arith.constant 31 : i32
    %shift_left3A_582 = vector.broadcast %shift_left3A_581 : i32 to vector<16xi32>
    %shift_left3A_583 = arith.shli %get3A_580, %shift_left3A_582 : vector<16xi32>
    %or3A_584 = arith.ori %or3A_578, %shift_left3A_583 : vector<16xi32>
    %swap3A_585 = arith.constant 32 : index
    %swap3A_586 = tpu.vector_load %arg6[%swap3A_585] {strides = array<i32>} : memref<112xi32, #tpu.memory_space<vmem>>, vector<16xi32>,
    tpu.vector_store %arg6[%swap3A_585], %or3A_584 {strides = array<i32>} : memref<112xi32, #tpu.memory_space<vmem>>, vector<16xi32>,
    %broadcast_in_dim3A_587 = arith.constant 0 : i32
    %broadcast_in_dim3A_588 = vector.broadcast %broadcast_in_dim3A_587 : i32 to vector<16xi32>
    %get3A_589 = arith.constant 48 : index
    %get3A_590 = tpu.vector_load %arg5[%get3A_589] {strides = array<i32>} : memref<3584xi32, #tpu.memory_space<vmem>>, vector<16xi32>,
    %shift_left3A_591 = arith.constant 0 : i32
    %shift_left3A_592 = vector.broadcast %shift_left3A_591 : i32 to vector<16xi32>
    %shift_left3A_593 = arith.shli %get3A_590, %shift_left3A_592 : vector<16xi32>
    %or3A_594 = arith.ori %broadcast_in_dim3A_588, %shift_left3A_593 : vector<16xi32>
    %get3A_595 = arith.constant 160 : index
    %get3A_596 = tpu.vector_load %arg5[%get3A_595] {strides = array<i32>} : memref<3584xi32, #tpu.memory_space<vmem>>, vector<16xi32>,
    %shift_left3A_597 = arith.constant 1 : i32
    %shift_left3A_598 = vector.broadcast %shift_left3A_597 : i32 to vector<16xi32>
    %shift_left3A_599 = arith.shli %get3A_596, %shift_left3A_598 : vector<16xi32>
    %or3A_600 = arith.ori %or3A_594, %shift_left3A_599 : vector<16xi32>
    %get3A_601 = arith.constant 272 : index
    %get3A_602 = tpu.vector_load %arg5[%get3A_601] {strides = array<i32>} : memref<3584xi32, #tpu.memory_space<vmem>>, vector<16xi32>,
    %shift_left3A_603 = arith.constant 2 : i32
    %shift_left3A_604 = vector.broadcast %shift_left3A_603 : i32 to vector<16xi32>
    %shift_left3A_605 = arith.shli %get3A_602, %shift_left3A_604 : vector<16xi32>
    %or3A_606 = arith.ori %or3A_600, %shift_left3A_605 : vector<16xi32>
    %get3A_607 = arith.constant 384 : index
    %get3A_608 = tpu.vector_load %arg5[%get3A_607] {strides = array<i32>} : memref<3584xi32, #tpu.memory_space<vmem>>, vector<16xi32>,
    %shift_left3A_609 = arith.constant 3 : i32
    %shift_left3A_610 = vector.broadcast %shift_left3A_609 : i32 to vector<16xi32>
    %shift_left3A_611 = arith.shli %get3A_608, %shift_left3A_610 : vector<16xi32>
    %or3A_612 = arith.ori %or3A_606, %shift_left3A_611 : vector<16xi32>
    %get3A_613 = arith.constant 496 : index
    %get3A_614 = tpu.vector_load %arg5[%get3A_613] {strides = array<i32>} : memref<3584xi32, #tpu.memory_space<vmem>>, vector<16xi32>,
    %shift_left3A_615 = arith.constant 4 : i32
    %shift_left3A_616 = vector.broadcast %shift_left3A_615 : i32 to vector<16xi32>
    %shift_left3A_617 = arith.shli %get3A_614, %shift_left3A_616 : vector<16xi32>
    %or3A_618 = arith.ori %or3A_612, %shift_left3A_617 : vector<16xi32>
    %get3A_619 = arith.constant 608 : index
    %get3A_620 = tpu.vector_load %arg5[%get3A_619] {strides = array<i32>} : memref<3584xi32, #tpu.memory_space<vmem>>, vector<16xi32>,
    %shift_left3A_621 = arith.constant 5 : i32
    %shift_left3A_622 = vector.broadcast %shift_left3A_621 : i32 to vector<16xi32>
    %shift_left3A_623 = arith.shli %get3A_620, %shift_left3A_622 : vector<16xi32>
    %or3A_624 = arith.ori %or3A_618, %shift_left3A_623 : vector<16xi32>
    %get3A_625 = arith.constant 720 : index
    %get3A_626 = tpu.vector_load %arg5[%get3A_625] {strides = array<i32>} : memref<3584xi32, #tpu.memory_space<vmem>>, vector<16xi32>,
    %shift_left3A_627 = arith.constant 6 : i32
    %shift_left3A_628 = vector.broadcast %shift_left3A_627 : i32 to vector<16xi32>
    %shift_left3A_629 = arith.shli %get3A_626, %shift_left3A_628 : vector<16xi32>
    %or3A_630 = arith.ori %or3A_624, %shift_left3A_629 : vector<16xi32>
    %get3A_631 = arith.constant 832 : index
    %get3A_632 = tpu.vector_load %arg5[%get3A_631] {strides = array<i32>} : memref<3584xi32, #tpu.memory_space<vmem>>, vector<16xi32>,
    %shift_left3A_633 = arith.constant 7 : i32
    %shift_left3A_634 = vector.broadcast %shift_left3A_633 : i32 to vector<16xi32>
    %shift_left3A_635 = arith.shli %get3A_632, %shift_left3A_634 : vector<16xi32>
    %or3A_636 = arith.ori %or3A_630, %shift_left3A_635 : vector<16xi32>
    %get3A_637 = arith.constant 944 : index
    %get3A_638 = tpu.vector_load %arg5[%get3A_637] {strides = array<i32>} : memref<3584xi32, #tpu.memory_space<vmem>>, vector<16xi32>,
    %shift_left3A_639 = arith.constant 8 : i32
    %shift_left3A_640 = vector.broadcast %shift_left3A_639 : i32 to vector<16xi32>
    %shift_left3A_641 = arith.shli %get3A_638, %shift_left3A_640 : vector<16xi32>
    %or3A_642 = arith.ori %or3A_636, %shift_left3A_641 : vector<16xi32>
    %get3A_643 = arith.constant 1056 : index
    %get3A_644 = tpu.vector_load %arg5[%get3A_643] {strides = array<i32>} : memref<3584xi32, #tpu.memory_space<vmem>>, vector<16xi32>,
    %shift_left3A_645 = arith.constant 9 : i32
    %shift_left3A_646 = vector.broadcast %shift_left3A_645 : i32 to vector<16xi32>
    %shift_left3A_647 = arith.shli %get3A_644, %shift_left3A_646 : vector<16xi32>
    %or3A_648 = arith.ori %or3A_642, %shift_left3A_647 : vector<16xi32>
    %get3A_649 = arith.constant 1168 : index
    %get3A_650 = tpu.vector_load %arg5[%get3A_649] {strides = array<i32>} : memref<3584xi32, #tpu.memory_space<vmem>>, vector<16xi32>,
    %shift_left3A_651 = arith.constant 10 : i32
    %shift_left3A_652 = vector.broadcast %shift_left3A_651 : i32 to vector<16xi32>
    %shift_left3A_653 = arith.shli %get3A_650, %shift_left3A_652 : vector<16xi32>
    %or3A_654 = arith.ori %or3A_648, %shift_left3A_653 : vector<16xi32>
    %get3A_655 = arith.constant 1280 : index
    %get3A_656 = tpu.vector_load %arg5[%get3A_655] {strides = array<i32>} : memref<3584xi32, #tpu.memory_space<vmem>>, vector<16xi32>,
    %shift_left3A_657 = arith.constant 11 : i32
    %shift_left3A_658 = vector.broadcast %shift_left3A_657 : i32 to vector<16xi32>
    %shift_left3A_659 = arith.shli %get3A_656, %shift_left3A_658 : vector<16xi32>
    %or3A_660 = arith.ori %or3A_654, %shift_left3A_659 : vector<16xi32>
    %get3A_661 = arith.constant 1392 : index
    %get3A_662 = tpu.vector_load %arg5[%get3A_661] {strides = array<i32>} : memref<3584xi32, #tpu.memory_space<vmem>>, vector<16xi32>,
    %shift_left3A_663 = arith.constant 12 : i32
    %shift_left3A_664 = vector.broadcast %shift_left3A_663 : i32 to vector<16xi32>
    %shift_left3A_665 = arith.shli %get3A_662, %shift_left3A_664 : vector<16xi32>
    %or3A_666 = arith.ori %or3A_660, %shift_left3A_665 : vector<16xi32>
    %get3A_667 = arith.constant 1504 : index
    %get3A_668 = tpu.vector_load %arg5[%get3A_667] {strides = array<i32>} : memref<3584xi32, #tpu.memory_space<vmem>>, vector<16xi32>,
    %shift_left3A_669 = arith.constant 13 : i32
    %shift_left3A_670 = vector.broadcast %shift_left3A_669 : i32 to vector<16xi32>
    %shift_left3A_671 = arith.shli %get3A_668, %shift_left3A_670 : vector<16xi32>
    %or3A_672 = arith.ori %or3A_666, %shift_left3A_671 : vector<16xi32>
    %get3A_673 = arith.constant 1616 : index
    %get3A_674 = tpu.vector_load %arg5[%get3A_673] {strides = array<i32>} : memref<3584xi32, #tpu.memory_space<vmem>>, vector<16xi32>,
    %shift_left3A_675 = arith.constant 14 : i32
    %shift_left3A_676 = vector.broadcast %shift_left3A_675 : i32 to vector<16xi32>
    %shift_left3A_677 = arith.shli %get3A_674, %shift_left3A_676 : vector<16xi32>
    %or3A_678 = arith.ori %or3A_672, %shift_left3A_677 : vector<16xi32>
    %get3A_679 = arith.constant 1728 : index
    %get3A_680 = tpu.vector_load %arg5[%get3A_679] {strides = array<i32>} : memref<3584xi32, #tpu.memory_space<vmem>>, vector<16xi32>,
    %shift_left3A_681 = arith.constant 15 : i32
    %shift_left3A_682 = vector.broadcast %shift_left3A_681 : i32 to vector<16xi32>
    %shift_left3A_683 = arith.shli %get3A_680, %shift_left3A_682 : vector<16xi32>
    %or3A_684 = arith.ori %or3A_678, %shift_left3A_683 : vector<16xi32>
    %get3A_685 = arith.constant 1840 : index
    %get3A_686 = tpu.vector_load %arg5[%get3A_685] {strides = array<i32>} : memref<3584xi32, #tpu.memory_space<vmem>>, vector<16xi32>,
    %shift_left3A_687 = arith.constant 16 : i32
    %shift_left3A_688 = vector.broadcast %shift_left3A_687 : i32 to vector<16xi32>
    %shift_left3A_689 = arith.shli %get3A_686, %shift_left3A_688 : vector<16xi32>
    %or3A_690 = arith.ori %or3A_684, %shift_left3A_689 : vector<16xi32>
    %get3A_691 = arith.constant 1952 : index
    %get3A_692 = tpu.vector_load %arg5[%get3A_691] {strides = array<i32>} : memref<3584xi32, #tpu.memory_space<vmem>>, vector<16xi32>,
    %shift_left3A_693 = arith.constant 17 : i32
    %shift_left3A_694 = vector.broadcast %shift_left3A_693 : i32 to vector<16xi32>
    %shift_left3A_695 = arith.shli %get3A_692, %shift_left3A_694 : vector<16xi32>
    %or3A_696 = arith.ori %or3A_690, %shift_left3A_695 : vector<16xi32>
    %get3A_697 = arith.constant 2064 : index
    %get3A_698 = tpu.vector_load %arg5[%get3A_697] {strides = array<i32>} : memref<3584xi32, #tpu.memory_space<vmem>>, vector<16xi32>,
    %shift_left3A_699 = arith.constant 18 : i32
    %shift_left3A_700 = vector.broadcast %shift_left3A_699 : i32 to vector<16xi32>
    %shift_left3A_701 = arith.shli %get3A_698, %shift_left3A_700 : vector<16xi32>
    %or3A_702 = arith.ori %or3A_696, %shift_left3A_701 : vector<16xi32>
    %get3A_703 = arith.constant 2176 : index
    %get3A_704 = tpu.vector_load %arg5[%get3A_703] {strides = array<i32>} : memref<3584xi32, #tpu.memory_space<vmem>>, vector<16xi32>,
    %shift_left3A_705 = arith.constant 19 : i32
    %shift_left3A_706 = vector.broadcast %shift_left3A_705 : i32 to vector<16xi32>
    %shift_left3A_707 = arith.shli %get3A_704, %shift_left3A_706 : vector<16xi32>
    %or3A_708 = arith.ori %or3A_702, %shift_left3A_707 : vector<16xi32>
    %get3A_709 = arith.constant 2288 : index
    %get3A_710 = tpu.vector_load %arg5[%get3A_709] {strides = array<i32>} : memref<3584xi32, #tpu.memory_space<vmem>>, vector<16xi32>,
    %shift_left3A_711 = arith.constant 20 : i32
    %shift_left3A_712 = vector.broadcast %shift_left3A_711 : i32 to vector<16xi32>
    %shift_left3A_713 = arith.shli %get3A_710, %shift_left3A_712 : vector<16xi32>
    %or3A_714 = arith.ori %or3A_708, %shift_left3A_713 : vector<16xi32>
    %get3A_715 = arith.constant 2400 : index
    %get3A_716 = tpu.vector_load %arg5[%get3A_715] {strides = array<i32>} : memref<3584xi32, #tpu.memory_space<vmem>>, vector<16xi32>,
    %shift_left3A_717 = arith.constant 21 : i32
    %shift_left3A_718 = vector.broadcast %shift_left3A_717 : i32 to vector<16xi32>
    %shift_left3A_719 = arith.shli %get3A_716, %shift_left3A_718 : vector<16xi32>
    %or3A_720 = arith.ori %or3A_714, %shift_left3A_719 : vector<16xi32>
    %get3A_721 = arith.constant 2512 : index
    %get3A_722 = tpu.vector_load %arg5[%get3A_721] {strides = array<i32>} : memref<3584xi32, #tpu.memory_space<vmem>>, vector<16xi32>,
    %shift_left3A_723 = arith.constant 22 : i32
    %shift_left3A_724 = vector.broadcast %shift_left3A_723 : i32 to vector<16xi32>
    %shift_left3A_725 = arith.shli %get3A_722, %shift_left3A_724 : vector<16xi32>
    %or3A_726 = arith.ori %or3A_720, %shift_left3A_725 : vector<16xi32>
    %get3A_727 = arith.constant 2624 : index
    %get3A_728 = tpu.vector_load %arg5[%get3A_727] {strides = array<i32>} : memref<3584xi32, #tpu.memory_space<vmem>>, vector<16xi32>,
    %shift_left3A_729 = arith.constant 23 : i32
    %shift_left3A_730 = vector.broadcast %shift_left3A_729 : i32 to vector<16xi32>
    %shift_left3A_731 = arith.shli %get3A_728, %shift_left3A_730 : vector<16xi32>
    %or3A_732 = arith.ori %or3A_726, %shift_left3A_731 : vector<16xi32>
    %get3A_733 = arith.constant 2736 : index
    %get3A_734 = tpu.vector_load %arg5[%get3A_733] {strides = array<i32>} : memref<3584xi32, #tpu.memory_space<vmem>>, vector<16xi32>,
    %shift_left3A_735 = arith.constant 24 : i32
    %shift_left3A_736 = vector.broadcast %shift_left3A_735 : i32 to vector<16xi32>
    %shift_left3A_737 = arith.shli %get3A_734, %shift_left3A_736 : vector<16xi32>
    %or3A_738 = arith.ori %or3A_732, %shift_left3A_737 : vector<16xi32>
    %get3A_739 = arith.constant 2848 : index
    %get3A_740 = tpu.vector_load %arg5[%get3A_739] {strides = array<i32>} : memref<3584xi32, #tpu.memory_space<vmem>>, vector<16xi32>,
    %shift_left3A_741 = arith.constant 25 : i32
    %shift_left3A_742 = vector.broadcast %shift_left3A_741 : i32 to vector<16xi32>
    %shift_left3A_743 = arith.shli %get3A_740, %shift_left3A_742 : vector<16xi32>
    %or3A_744 = arith.ori %or3A_738, %shift_left3A_743 : vector<16xi32>
    %get3A_745 = arith.constant 2960 : index
    %get3A_746 = tpu.vector_load %arg5[%get3A_745] {strides = array<i32>} : memref<3584xi32, #tpu.memory_space<vmem>>, vector<16xi32>,
    %shift_left3A_747 = arith.constant 26 : i32
    %shift_left3A_748 = vector.broadcast %shift_left3A_747 : i32 to vector<16xi32>
    %shift_left3A_749 = arith.shli %get3A_746, %shift_left3A_748 : vector<16xi32>
    %or3A_750 = arith.ori %or3A_744, %shift_left3A_749 : vector<16xi32>
    %get3A_751 = arith.constant 3072 : index
    %get3A_752 = tpu.vector_load %arg5[%get3A_751] {strides = array<i32>} : memref<3584xi32, #tpu.memory_space<vmem>>, vector<16xi32>,
    %shift_left3A_753 = arith.constant 27 : i32
    %shift_left3A_754 = vector.broadcast %shift_left3A_753 : i32 to vector<16xi32>
    %shift_left3A_755 = arith.shli %get3A_752, %shift_left3A_754 : vector<16xi32>
    %or3A_756 = arith.ori %or3A_750, %shift_left3A_755 : vector<16xi32>
    %get3A_757 = arith.constant 3184 : index
    %get3A_758 = tpu.vector_load %arg5[%get3A_757] {strides = array<i32>} : memref<3584xi32, #tpu.memory_space<vmem>>, vector<16xi32>,
    %shift_left3A_759 = arith.constant 28 : i32
    %shift_left3A_760 = vector.broadcast %shift_left3A_759 : i32 to vector<16xi32>
    %shift_left3A_761 = arith.shli %get3A_758, %shift_left3A_760 : vector<16xi32>
    %or3A_762 = arith.ori %or3A_756, %shift_left3A_761 : vector<16xi32>
    %get3A_763 = arith.constant 3296 : index
    %get3A_764 = tpu.vector_load %arg5[%get3A_763] {strides = array<i32>} : memref<3584xi32, #tpu.memory_space<vmem>>, vector<16xi32>,
    %shift_left3A_765 = arith.constant 29 : i32
    %shift_left3A_766 = vector.broadcast %shift_left3A_765 : i32 to vector<16xi32>
    %shift_left3A_767 = arith.shli %get3A_764, %shift_left3A_766 : vector<16xi32>
    %or3A_768 = arith.ori %or3A_762, %shift_left3A_767 : vector<16xi32>
    %get3A_769 = arith.constant 3408 : index
    %get3A_770 = tpu.vector_load %arg5[%get3A_769] {strides = array<i32>} : memref<3584xi32, #tpu.memory_space<vmem>>, vector<16xi32>,
    %shift_left3A_771 = arith.constant 30 : i32
    %shift_left3A_772 = vector.broadcast %shift_left3A_771 : i32 to vector<16xi32>
    %shift_left3A_773 = arith.shli %get3A_770, %shift_left3A_772 : vector<16xi32>
    %or3A_774 = arith.ori %or3A_768, %shift_left3A_773 : vector<16xi32>
    %get3A_775 = arith.constant 3520 : index
    %get3A_776 = tpu.vector_load %arg5[%get3A_775] {strides = array<i32>} : memref<3584xi32, #tpu.memory_space<vmem>>, vector<16xi32>,
    %shift_left3A_777 = arith.constant 31 : i32
    %shift_left3A_778 = vector.broadcast %shift_left3A_777 : i32 to vector<16xi32>
    %shift_left3A_779 = arith.shli %get3A_776, %shift_left3A_778 : vector<16xi32>
    %or3A_780 = arith.ori %or3A_774, %shift_left3A_779 : vector<16xi32>
    %swap3A_781 = arith.constant 48 : index
    %swap3A_782 = tpu.vector_load %arg6[%swap3A_781] {strides = array<i32>} : memref<112xi32, #tpu.memory_space<vmem>>, vector<16xi32>,
    tpu.vector_store %arg6[%swap3A_781], %or3A_780 {strides = array<i32>} : memref<112xi32, #tpu.memory_space<vmem>>, vector<16xi32>,
    %broadcast_in_dim3A_783 = arith.constant 0 : i32
    %broadcast_in_dim3A_784 = vector.broadcast %broadcast_in_dim3A_783 : i32 to vector<16xi32>
    %get3A_785 = arith.constant 64 : index
    %get3A_786 = tpu.vector_load %arg5[%get3A_785] {strides = array<i32>} : memref<3584xi32, #tpu.memory_space<vmem>>, vector<16xi32>,
    %shift_left3A_787 = arith.constant 0 : i32
    %shift_left3A_788 = vector.broadcast %shift_left3A_787 : i32 to vector<16xi32>
    %shift_left3A_789 = arith.shli %get3A_786, %shift_left3A_788 : vector<16xi32>
    %or3A_790 = arith.ori %broadcast_in_dim3A_784, %shift_left3A_789 : vector<16xi32>
    %get3A_791 = arith.constant 176 : index
    %get3A_792 = tpu.vector_load %arg5[%get3A_791] {strides = array<i32>} : memref<3584xi32, #tpu.memory_space<vmem>>, vector<16xi32>,
    %shift_left3A_793 = arith.constant 1 : i32
    %shift_left3A_794 = vector.broadcast %shift_left3A_793 : i32 to vector<16xi32>
    %shift_left3A_795 = arith.shli %get3A_792, %shift_left3A_794 : vector<16xi32>
    %or3A_796 = arith.ori %or3A_790, %shift_left3A_795 : vector<16xi32>
    %get3A_797 = arith.constant 288 : index
    %get3A_798 = tpu.vector_load %arg5[%get3A_797] {strides = array<i32>} : memref<3584xi32, #tpu.memory_space<vmem>>, vector<16xi32>,
    %shift_left3A_799 = arith.constant 2 : i32
    %shift_left3A_800 = vector.broadcast %shift_left3A_799 : i32 to vector<16xi32>
    %shift_left3A_801 = arith.shli %get3A_798, %shift_left3A_800 : vector<16xi32>
    %or3A_802 = arith.ori %or3A_796, %shift_left3A_801 : vector<16xi32>
    %get3A_803 = arith.constant 400 : index
    %get3A_804 = tpu.vector_load %arg5[%get3A_803] {strides = array<i32>} : memref<3584xi32, #tpu.memory_space<vmem>>, vector<16xi32>,
    %shift_left3A_805 = arith.constant 3 : i32
    %shift_left3A_806 = vector.broadcast %shift_left3A_805 : i32 to vector<16xi32>
    %shift_left3A_807 = arith.shli %get3A_804, %shift_left3A_806 : vector<16xi32>
    %or3A_808 = arith.ori %or3A_802, %shift_left3A_807 : vector<16xi32>
    %get3A_809 = arith.constant 512 : index
    %get3A_810 = tpu.vector_load %arg5[%get3A_809] {strides = array<i32>} : memref<3584xi32, #tpu.memory_space<vmem>>, vector<16xi32>,
    %shift_left3A_811 = arith.constant 4 : i32
    %shift_left3A_812 = vector.broadcast %shift_left3A_811 : i32 to vector<16xi32>
    %shift_left3A_813 = arith.shli %get3A_810, %shift_left3A_812 : vector<16xi32>
    %or3A_814 = arith.ori %or3A_808, %shift_left3A_813 : vector<16xi32>
    %get3A_815 = arith.constant 624 : index
    %get3A_816 = tpu.vector_load %arg5[%get3A_815] {strides = array<i32>} : memref<3584xi32, #tpu.memory_space<vmem>>, vector<16xi32>,
    %shift_left3A_817 = arith.constant 5 : i32
    %shift_left3A_818 = vector.broadcast %shift_left3A_817 : i32 to vector<16xi32>
    %shift_left3A_819 = arith.shli %get3A_816, %shift_left3A_818 : vector<16xi32>
    %or3A_820 = arith.ori %or3A_814, %shift_left3A_819 : vector<16xi32>
    %get3A_821 = arith.constant 736 : index
    %get3A_822 = tpu.vector_load %arg5[%get3A_821] {strides = array<i32>} : memref<3584xi32, #tpu.memory_space<vmem>>, vector<16xi32>,
    %shift_left3A_823 = arith.constant 6 : i32
    %shift_left3A_824 = vector.broadcast %shift_left3A_823 : i32 to vector<16xi32>
    %shift_left3A_825 = arith.shli %get3A_822, %shift_left3A_824 : vector<16xi32>
    %or3A_826 = arith.ori %or3A_820, %shift_left3A_825 : vector<16xi32>
    %get3A_827 = arith.constant 848 : index
    %get3A_828 = tpu.vector_load %arg5[%get3A_827] {strides = array<i32>} : memref<3584xi32, #tpu.memory_space<vmem>>, vector<16xi32>,
    %shift_left3A_829 = arith.constant 7 : i32
    %shift_left3A_830 = vector.broadcast %shift_left3A_829 : i32 to vector<16xi32>
    %shift_left3A_831 = arith.shli %get3A_828, %shift_left3A_830 : vector<16xi32>
    %or3A_832 = arith.ori %or3A_826, %shift_left3A_831 : vector<16xi32>
    %get3A_833 = arith.constant 960 : index
    %get3A_834 = tpu.vector_load %arg5[%get3A_833] {strides = array<i32>} : memref<3584xi32, #tpu.memory_space<vmem>>, vector<16xi32>,
    %shift_left3A_835 = arith.constant 8 : i32
    %shift_left3A_836 = vector.broadcast %shift_left3A_835 : i32 to vector<16xi32>
    %shift_left3A_837 = arith.shli %get3A_834, %shift_left3A_836 : vector<16xi32>
    %or3A_838 = arith.ori %or3A_832, %shift_left3A_837 : vector<16xi32>
    %get3A_839 = arith.constant 1072 : index
    %get3A_840 = tpu.vector_load %arg5[%get3A_839] {strides = array<i32>} : memref<3584xi32, #tpu.memory_space<vmem>>, vector<16xi32>,
    %shift_left3A_841 = arith.constant 9 : i32
    %shift_left3A_842 = vector.broadcast %shift_left3A_841 : i32 to vector<16xi32>
    %shift_left3A_843 = arith.shli %get3A_840, %shift_left3A_842 : vector<16xi32>
    %or3A_844 = arith.ori %or3A_838, %shift_left3A_843 : vector<16xi32>
    %get3A_845 = arith.constant 1184 : index
    %get3A_846 = tpu.vector_load %arg5[%get3A_845] {strides = array<i32>} : memref<3584xi32, #tpu.memory_space<vmem>>, vector<16xi32>,
    %shift_left3A_847 = arith.constant 10 : i32
    %shift_left3A_848 = vector.broadcast %shift_left3A_847 : i32 to vector<16xi32>
    %shift_left3A_849 = arith.shli %get3A_846, %shift_left3A_848 : vector<16xi32>
    %or3A_850 = arith.ori %or3A_844, %shift_left3A_849 : vector<16xi32>
    %get3A_851 = arith.constant 1296 : index
    %get3A_852 = tpu.vector_load %arg5[%get3A_851] {strides = array<i32>} : memref<3584xi32, #tpu.memory_space<vmem>>, vector<16xi32>,
    %shift_left3A_853 = arith.constant 11 : i32
    %shift_left3A_854 = vector.broadcast %shift_left3A_853 : i32 to vector<16xi32>
    %shift_left3A_855 = arith.shli %get3A_852, %shift_left3A_854 : vector<16xi32>
    %or3A_856 = arith.ori %or3A_850, %shift_left3A_855 : vector<16xi32>
    %get3A_857 = arith.constant 1408 : index
    %get3A_858 = tpu.vector_load %arg5[%get3A_857] {strides = array<i32>} : memref<3584xi32, #tpu.memory_space<vmem>>, vector<16xi32>,
    %shift_left3A_859 = arith.constant 12 : i32
    %shift_left3A_860 = vector.broadcast %shift_left3A_859 : i32 to vector<16xi32>
    %shift_left3A_861 = arith.shli %get3A_858, %shift_left3A_860 : vector<16xi32>
    %or3A_862 = arith.ori %or3A_856, %shift_left3A_861 : vector<16xi32>
    %get3A_863 = arith.constant 1520 : index
    %get3A_864 = tpu.vector_load %arg5[%get3A_863] {strides = array<i32>} : memref<3584xi32, #tpu.memory_space<vmem>>, vector<16xi32>,
    %shift_left3A_865 = arith.constant 13 : i32
    %shift_left3A_866 = vector.broadcast %shift_left3A_865 : i32 to vector<16xi32>
    %shift_left3A_867 = arith.shli %get3A_864, %shift_left3A_866 : vector<16xi32>
    %or3A_868 = arith.ori %or3A_862, %shift_left3A_867 : vector<16xi32>
    %get3A_869 = arith.constant 1632 : index
    %get3A_870 = tpu.vector_load %arg5[%get3A_869] {strides = array<i32>} : memref<3584xi32, #tpu.memory_space<vmem>>, vector<16xi32>,
    %shift_left3A_871 = arith.constant 14 : i32
    %shift_left3A_872 = vector.broadcast %shift_left3A_871 : i32 to vector<16xi32>
    %shift_left3A_873 = arith.shli %get3A_870, %shift_left3A_872 : vector<16xi32>
    %or3A_874 = arith.ori %or3A_868, %shift_left3A_873 : vector<16xi32>
    %get3A_875 = arith.constant 1744 : index
    %get3A_876 = tpu.vector_load %arg5[%get3A_875] {strides = array<i32>} : memref<3584xi32, #tpu.memory_space<vmem>>, vector<16xi32>,
    %shift_left3A_877 = arith.constant 15 : i32
    %shift_left3A_878 = vector.broadcast %shift_left3A_877 : i32 to vector<16xi32>
    %shift_left3A_879 = arith.shli %get3A_876, %shift_left3A_878 : vector<16xi32>
    %or3A_880 = arith.ori %or3A_874, %shift_left3A_879 : vector<16xi32>
    %get3A_881 = arith.constant 1856 : index
    %get3A_882 = tpu.vector_load %arg5[%get3A_881] {strides = array<i32>} : memref<3584xi32, #tpu.memory_space<vmem>>, vector<16xi32>,
    %shift_left3A_883 = arith.constant 16 : i32
    %shift_left3A_884 = vector.broadcast %shift_left3A_883 : i32 to vector<16xi32>
    %shift_left3A_885 = arith.shli %get3A_882, %shift_left3A_884 : vector<16xi32>
    %or3A_886 = arith.ori %or3A_880, %shift_left3A_885 : vector<16xi32>
    %get3A_887 = arith.constant 1968 : index
    %get3A_888 = tpu.vector_load %arg5[%get3A_887] {strides = array<i32>} : memref<3584xi32, #tpu.memory_space<vmem>>, vector<16xi32>,
    %shift_left3A_889 = arith.constant 17 : i32
    %shift_left3A_890 = vector.broadcast %shift_left3A_889 : i32 to vector<16xi32>
    %shift_left3A_891 = arith.shli %get3A_888, %shift_left3A_890 : vector<16xi32>
    %or3A_892 = arith.ori %or3A_886, %shift_left3A_891 : vector<16xi32>
    %get3A_893 = arith.constant 2080 : index
    %get3A_894 = tpu.vector_load %arg5[%get3A_893] {strides = array<i32>} : memref<3584xi32, #tpu.memory_space<vmem>>, vector<16xi32>,
    %shift_left3A_895 = arith.constant 18 : i32
    %shift_left3A_896 = vector.broadcast %shift_left3A_895 : i32 to vector<16xi32>
    %shift_left3A_897 = arith.shli %get3A_894, %shift_left3A_896 : vector<16xi32>
    %or3A_898 = arith.ori %or3A_892, %shift_left3A_897 : vector<16xi32>
    %get3A_899 = arith.constant 2192 : index
    %get3A_900 = tpu.vector_load %arg5[%get3A_899] {strides = array<i32>} : memref<3584xi32, #tpu.memory_space<vmem>>, vector<16xi32>,
    %shift_left3A_901 = arith.constant 19 : i32
    %shift_left3A_902 = vector.broadcast %shift_left3A_901 : i32 to vector<16xi32>
    %shift_left3A_903 = arith.shli %get3A_900, %shift_left3A_902 : vector<16xi32>
    %or3A_904 = arith.ori %or3A_898, %shift_left3A_903 : vector<16xi32>
    %get3A_905 = arith.constant 2304 : index
    %get3A_906 = tpu.vector_load %arg5[%get3A_905] {strides = array<i32>} : memref<3584xi32, #tpu.memory_space<vmem>>, vector<16xi32>,
    %shift_left3A_907 = arith.constant 20 : i32
    %shift_left3A_908 = vector.broadcast %shift_left3A_907 : i32 to vector<16xi32>
    %shift_left3A_909 = arith.shli %get3A_906, %shift_left3A_908 : vector<16xi32>
    %or3A_910 = arith.ori %or3A_904, %shift_left3A_909 : vector<16xi32>
    %get3A_911 = arith.constant 2416 : index
    %get3A_912 = tpu.vector_load %arg5[%get3A_911] {strides = array<i32>} : memref<3584xi32, #tpu.memory_space<vmem>>, vector<16xi32>,
    %shift_left3A_913 = arith.constant 21 : i32
    %shift_left3A_914 = vector.broadcast %shift_left3A_913 : i32 to vector<16xi32>
    %shift_left3A_915 = arith.shli %get3A_912, %shift_left3A_914 : vector<16xi32>
    %or3A_916 = arith.ori %or3A_910, %shift_left3A_915 : vector<16xi32>
    %get3A_917 = arith.constant 2528 : index
    %get3A_918 = tpu.vector_load %arg5[%get3A_917] {strides = array<i32>} : memref<3584xi32, #tpu.memory_space<vmem>>, vector<16xi32>,
    %shift_left3A_919 = arith.constant 22 : i32
    %shift_left3A_920 = vector.broadcast %shift_left3A_919 : i32 to vector<16xi32>
    %shift_left3A_921 = arith.shli %get3A_918, %shift_left3A_920 : vector<16xi32>
    %or3A_922 = arith.ori %or3A_916, %shift_left3A_921 : vector<16xi32>
    %get3A_923 = arith.constant 2640 : index
    %get3A_924 = tpu.vector_load %arg5[%get3A_923] {strides = array<i32>} : memref<3584xi32, #tpu.memory_space<vmem>>, vector<16xi32>,
    %shift_left3A_925 = arith.constant 23 : i32
    %shift_left3A_926 = vector.broadcast %shift_left3A_925 : i32 to vector<16xi32>
    %shift_left3A_927 = arith.shli %get3A_924, %shift_left3A_926 : vector<16xi32>
    %or3A_928 = arith.ori %or3A_922, %shift_left3A_927 : vector<16xi32>
    %get3A_929 = arith.constant 2752 : index
    %get3A_930 = tpu.vector_load %arg5[%get3A_929] {strides = array<i32>} : memref<3584xi32, #tpu.memory_space<vmem>>, vector<16xi32>,
    %shift_left3A_931 = arith.constant 24 : i32
    %shift_left3A_932 = vector.broadcast %shift_left3A_931 : i32 to vector<16xi32>
    %shift_left3A_933 = arith.shli %get3A_930, %shift_left3A_932 : vector<16xi32>
    %or3A_934 = arith.ori %or3A_928, %shift_left3A_933 : vector<16xi32>
    %get3A_935 = arith.constant 2864 : index
    %get3A_936 = tpu.vector_load %arg5[%get3A_935] {strides = array<i32>} : memref<3584xi32, #tpu.memory_space<vmem>>, vector<16xi32>,
    %shift_left3A_937 = arith.constant 25 : i32
    %shift_left3A_938 = vector.broadcast %shift_left3A_937 : i32 to vector<16xi32>
    %shift_left3A_939 = arith.shli %get3A_936, %shift_left3A_938 : vector<16xi32>
    %or3A_940 = arith.ori %or3A_934, %shift_left3A_939 : vector<16xi32>
    %get3A_941 = arith.constant 2976 : index
    %get3A_942 = tpu.vector_load %arg5[%get3A_941] {strides = array<i32>} : memref<3584xi32, #tpu.memory_space<vmem>>, vector<16xi32>,
    %shift_left3A_943 = arith.constant 26 : i32
    %shift_left3A_944 = vector.broadcast %shift_left3A_943 : i32 to vector<16xi32>
    %shift_left3A_945 = arith.shli %get3A_942, %shift_left3A_944 : vector<16xi32>
    %or3A_946 = arith.ori %or3A_940, %shift_left3A_945 : vector<16xi32>
    %get3A_947 = arith.constant 3088 : index
    %get3A_948 = tpu.vector_load %arg5[%get3A_947] {strides = array<i32>} : memref<3584xi32, #tpu.memory_space<vmem>>, vector<16xi32>,
    %shift_left3A_949 = arith.constant 27 : i32
    %shift_left3A_950 = vector.broadcast %shift_left3A_949 : i32 to vector<16xi32>
    %shift_left3A_951 = arith.shli %get3A_948, %shift_left3A_950 : vector<16xi32>
    %or3A_952 = arith.ori %or3A_946, %shift_left3A_951 : vector<16xi32>
    %get3A_953 = arith.constant 3200 : index
    %get3A_954 = tpu.vector_load %arg5[%get3A_953] {strides = array<i32>} : memref<3584xi32, #tpu.memory_space<vmem>>, vector<16xi32>,
    %shift_left3A_955 = arith.constant 28 : i32
    %shift_left3A_956 = vector.broadcast %shift_left3A_955 : i32 to vector<16xi32>
    %shift_left3A_957 = arith.shli %get3A_954, %shift_left3A_956 : vector<16xi32>
    %or3A_958 = arith.ori %or3A_952, %shift_left3A_957 : vector<16xi32>
    %get3A_959 = arith.constant 3312 : index
    %get3A_960 = tpu.vector_load %arg5[%get3A_959] {strides = array<i32>} : memref<3584xi32, #tpu.memory_space<vmem>>, vector<16xi32>,
    %shift_left3A_961 = arith.constant 29 : i32
    %shift_left3A_962 = vector.broadcast %shift_left3A_961 : i32 to vector<16xi32>
    %shift_left3A_963 = arith.shli %get3A_960, %shift_left3A_962 : vector<16xi32>
    %or3A_964 = arith.ori %or3A_958, %shift_left3A_963 : vector<16xi32>
    %get3A_965 = arith.constant 3424 : index
    %get3A_966 = tpu.vector_load %arg5[%get3A_965] {strides = array<i32>} : memref<3584xi32, #tpu.memory_space<vmem>>, vector<16xi32>,
    %shift_left3A_967 = arith.constant 30 : i32
    %shift_left3A_968 = vector.broadcast %shift_left3A_967 : i32 to vector<16xi32>
    %shift_left3A_969 = arith.shli %get3A_966, %shift_left3A_968 : vector<16xi32>
    %or3A_970 = arith.ori %or3A_964, %shift_left3A_969 : vector<16xi32>
    %get3A_971 = arith.constant 3536 : index
    %get3A_972 = tpu.vector_load %arg5[%get3A_971] {strides = array<i32>} : memref<3584xi32, #tpu.memory_space<vmem>>, vector<16xi32>,
    %shift_left3A_973 = arith.constant 31 : i32
    %shift_left3A_974 = vector.broadcast %shift_left3A_973 : i32 to vector<16xi32>
    %shift_left3A_975 = arith.shli %get3A_972, %shift_left3A_974 : vector<16xi32>
    %or3A_976 = arith.ori %or3A_970, %shift_left3A_975 : vector<16xi32>
    %swap3A_977 = arith.constant 64 : index
    %swap3A_978 = tpu.vector_load %arg6[%swap3A_977] {strides = array<i32>} : memref<112xi32, #tpu.memory_space<vmem>>, vector<16xi32>,
    tpu.vector_store %arg6[%swap3A_977], %or3A_976 {strides = array<i32>} : memref<112xi32, #tpu.memory_space<vmem>>, vector<16xi32>,
    %broadcast_in_dim3A_979 = arith.constant 0 : i32
    %broadcast_in_dim3A_980 = vector.broadcast %broadcast_in_dim3A_979 : i32 to vector<16xi32>
    %get3A_981 = arith.constant 80 : index
    %get3A_982 = tpu.vector_load %arg5[%get3A_981] {strides = array<i32>} : memref<3584xi32, #tpu.memory_space<vmem>>, vector<16xi32>,
    %shift_left3A_983 = arith.constant 0 : i32
    %shift_left3A_984 = vector.broadcast %shift_left3A_983 : i32 to vector<16xi32>
    %shift_left3A_985 = arith.shli %get3A_982, %shift_left3A_984 : vector<16xi32>
    %or3A_986 = arith.ori %broadcast_in_dim3A_980, %shift_left3A_985 : vector<16xi32>
    %get3A_987 = arith.constant 192 : index
    %get3A_988 = tpu.vector_load %arg5[%get3A_987] {strides = array<i32>} : memref<3584xi32, #tpu.memory_space<vmem>>, vector<16xi32>,
    %shift_left3A_989 = arith.constant 1 : i32
    %shift_left3A_990 = vector.broadcast %shift_left3A_989 : i32 to vector<16xi32>
    %shift_left3A_991 = arith.shli %get3A_988, %shift_left3A_990 : vector<16xi32>
    %or3A_992 = arith.ori %or3A_986, %shift_left3A_991 : vector<16xi32>
    %get3A_993 = arith.constant 304 : index
    %get3A_994 = tpu.vector_load %arg5[%get3A_993] {strides = array<i32>} : memref<3584xi32, #tpu.memory_space<vmem>>, vector<16xi32>,
    %shift_left3A_995 = arith.constant 2 : i32
    %shift_left3A_996 = vector.broadcast %shift_left3A_995 : i32 to vector<16xi32>
    %shift_left3A_997 = arith.shli %get3A_994, %shift_left3A_996 : vector<16xi32>
    %or3A_998 = arith.ori %or3A_992, %shift_left3A_997 : vector<16xi32>
    %get3A_999 = arith.constant 416 : index
    %get3A_1000 = tpu.vector_load %arg5[%get3A_999] {strides = array<i32>} : memref<3584xi32, #tpu.memory_space<vmem>>, vector<16xi32>,
    %shift_left3A_1001 = arith.constant 3 : i32
    %shift_left3A_1002 = vector.broadcast %shift_left3A_1001 : i32 to vector<16xi32>
    %shift_left3A_1003 = arith.shli %get3A_1000, %shift_left3A_1002 : vector<16xi32>
    %or3A_1004 = arith.ori %or3A_998, %shift_left3A_1003 : vector<16xi32>
    %get3A_1005 = arith.constant 528 : index
    %get3A_1006 = tpu.vector_load %arg5[%get3A_1005] {strides = array<i32>} : memref<3584xi32, #tpu.memory_space<vmem>>, vector<16xi32>,
    %shift_left3A_1007 = arith.constant 4 : i32
    %shift_left3A_1008 = vector.broadcast %shift_left3A_1007 : i32 to vector<16xi32>
    %shift_left3A_1009 = arith.shli %get3A_1006, %shift_left3A_1008 : vector<16xi32>
    %or3A_1010 = arith.ori %or3A_1004, %shift_left3A_1009 : vector<16xi32>
    %get3A_1011 = arith.constant 640 : index
    %get3A_1012 = tpu.vector_load %arg5[%get3A_1011] {strides = array<i32>} : memref<3584xi32, #tpu.memory_space<vmem>>, vector<16xi32>,
    %shift_left3A_1013 = arith.constant 5 : i32
    %shift_left3A_1014 = vector.broadcast %shift_left3A_1013 : i32 to vector<16xi32>
    %shift_left3A_1015 = arith.shli %get3A_1012, %shift_left3A_1014 : vector<16xi32>
    %or3A_1016 = arith.ori %or3A_1010, %shift_left3A_1015 : vector<16xi32>
    %get3A_1017 = arith.constant 752 : index
    %get3A_1018 = tpu.vector_load %arg5[%get3A_1017] {strides = array<i32>} : memref<3584xi32, #tpu.memory_space<vmem>>, vector<16xi32>,
    %shift_left3A_1019 = arith.constant 6 : i32
    %shift_left3A_1020 = vector.broadcast %shift_left3A_1019 : i32 to vector<16xi32>
    %shift_left3A_1021 = arith.shli %get3A_1018, %shift_left3A_1020 : vector<16xi32>
    %or3A_1022 = arith.ori %or3A_1016, %shift_left3A_1021 : vector<16xi32>
    %get3A_1023 = arith.constant 864 : index
    %get3A_1024 = tpu.vector_load %arg5[%get3A_1023] {strides = array<i32>} : memref<3584xi32, #tpu.memory_space<vmem>>, vector<16xi32>,
    %shift_left3A_1025 = arith.constant 7 : i32
    %shift_left3A_1026 = vector.broadcast %shift_left3A_1025 : i32 to vector<16xi32>
    %shift_left3A_1027 = arith.shli %get3A_1024, %shift_left3A_1026 : vector<16xi32>
    %or3A_1028 = arith.ori %or3A_1022, %shift_left3A_1027 : vector<16xi32>
    %get3A_1029 = arith.constant 976 : index
    %get3A_1030 = tpu.vector_load %arg5[%get3A_1029] {strides = array<i32>} : memref<3584xi32, #tpu.memory_space<vmem>>, vector<16xi32>,
    %shift_left3A_1031 = arith.constant 8 : i32
    %shift_left3A_1032 = vector.broadcast %shift_left3A_1031 : i32 to vector<16xi32>
    %shift_left3A_1033 = arith.shli %get3A_1030, %shift_left3A_1032 : vector<16xi32>
    %or3A_1034 = arith.ori %or3A_1028, %shift_left3A_1033 : vector<16xi32>
    %get3A_1035 = arith.constant 1088 : index
    %get3A_1036 = tpu.vector_load %arg5[%get3A_1035] {strides = array<i32>} : memref<3584xi32, #tpu.memory_space<vmem>>, vector<16xi32>,
    %shift_left3A_1037 = arith.constant 9 : i32
    %shift_left3A_1038 = vector.broadcast %shift_left3A_1037 : i32 to vector<16xi32>
    %shift_left3A_1039 = arith.shli %get3A_1036, %shift_left3A_1038 : vector<16xi32>
    %or3A_1040 = arith.ori %or3A_1034, %shift_left3A_1039 : vector<16xi32>
    %get3A_1041 = arith.constant 1200 : index
    %get3A_1042 = tpu.vector_load %arg5[%get3A_1041] {strides = array<i32>} : memref<3584xi32, #tpu.memory_space<vmem>>, vector<16xi32>,
    %shift_left3A_1043 = arith.constant 10 : i32
    %shift_left3A_1044 = vector.broadcast %shift_left3A_1043 : i32 to vector<16xi32>
    %shift_left3A_1045 = arith.shli %get3A_1042, %shift_left3A_1044 : vector<16xi32>
    %or3A_1046 = arith.ori %or3A_1040, %shift_left3A_1045 : vector<16xi32>
    %get3A_1047 = arith.constant 1312 : index
    %get3A_1048 = tpu.vector_load %arg5[%get3A_1047] {strides = array<i32>} : memref<3584xi32, #tpu.memory_space<vmem>>, vector<16xi32>,
    %shift_left3A_1049 = arith.constant 11 : i32
    %shift_left3A_1050 = vector.broadcast %shift_left3A_1049 : i32 to vector<16xi32>
    %shift_left3A_1051 = arith.shli %get3A_1048, %shift_left3A_1050 : vector<16xi32>
    %or3A_1052 = arith.ori %or3A_1046, %shift_left3A_1051 : vector<16xi32>
    %get3A_1053 = arith.constant 1424 : index
    %get3A_1054 = tpu.vector_load %arg5[%get3A_1053] {strides = array<i32>} : memref<3584xi32, #tpu.memory_space<vmem>>, vector<16xi32>,
    %shift_left3A_1055 = arith.constant 12 : i32
    %shift_left3A_1056 = vector.broadcast %shift_left3A_1055 : i32 to vector<16xi32>
    %shift_left3A_1057 = arith.shli %get3A_1054, %shift_left3A_1056 : vector<16xi32>
    %or3A_1058 = arith.ori %or3A_1052, %shift_left3A_1057 : vector<16xi32>
    %get3A_1059 = arith.constant 1536 : index
    %get3A_1060 = tpu.vector_load %arg5[%get3A_1059] {strides = array<i32>} : memref<3584xi32, #tpu.memory_space<vmem>>, vector<16xi32>,
    %shift_left3A_1061 = arith.constant 13 : i32
    %shift_left3A_1062 = vector.broadcast %shift_left3A_1061 : i32 to vector<16xi32>
    %shift_left3A_1063 = arith.shli %get3A_1060, %shift_left3A_1062 : vector<16xi32>
    %or3A_1064 = arith.ori %or3A_1058, %shift_left3A_1063 : vector<16xi32>
    %get3A_1065 = arith.constant 1648 : index
    %get3A_1066 = tpu.vector_load %arg5[%get3A_1065] {strides = array<i32>} : memref<3584xi32, #tpu.memory_space<vmem>>, vector<16xi32>,
    %shift_left3A_1067 = arith.constant 14 : i32
    %shift_left3A_1068 = vector.broadcast %shift_left3A_1067 : i32 to vector<16xi32>
    %shift_left3A_1069 = arith.shli %get3A_1066, %shift_left3A_1068 : vector<16xi32>
    %or3A_1070 = arith.ori %or3A_1064, %shift_left3A_1069 : vector<16xi32>
    %get3A_1071 = arith.constant 1760 : index
    %get3A_1072 = tpu.vector_load %arg5[%get3A_1071] {strides = array<i32>} : memref<3584xi32, #tpu.memory_space<vmem>>, vector<16xi32>,
    %shift_left3A_1073 = arith.constant 15 : i32
    %shift_left3A_1074 = vector.broadcast %shift_left3A_1073 : i32 to vector<16xi32>
    %shift_left3A_1075 = arith.shli %get3A_1072, %shift_left3A_1074 : vector<16xi32>
    %or3A_1076 = arith.ori %or3A_1070, %shift_left3A_1075 : vector<16xi32>
    %get3A_1077 = arith.constant 1872 : index
    %get3A_1078 = tpu.vector_load %arg5[%get3A_1077] {strides = array<i32>} : memref<3584xi32, #tpu.memory_space<vmem>>, vector<16xi32>,
    %shift_left3A_1079 = arith.constant 16 : i32
    %shift_left3A_1080 = vector.broadcast %shift_left3A_1079 : i32 to vector<16xi32>
    %shift_left3A_1081 = arith.shli %get3A_1078, %shift_left3A_1080 : vector<16xi32>
    %or3A_1082 = arith.ori %or3A_1076, %shift_left3A_1081 : vector<16xi32>
    %get3A_1083 = arith.constant 1984 : index
    %get3A_1084 = tpu.vector_load %arg5[%get3A_1083] {strides = array<i32>} : memref<3584xi32, #tpu.memory_space<vmem>>, vector<16xi32>,
    %shift_left3A_1085 = arith.constant 17 : i32
    %shift_left3A_1086 = vector.broadcast %shift_left3A_1085 : i32 to vector<16xi32>
    %shift_left3A_1087 = arith.shli %get3A_1084, %shift_left3A_1086 : vector<16xi32>
    %or3A_1088 = arith.ori %or3A_1082, %shift_left3A_1087 : vector<16xi32>
    %get3A_1089 = arith.constant 2096 : index
    %get3A_1090 = tpu.vector_load %arg5[%get3A_1089] {strides = array<i32>} : memref<3584xi32, #tpu.memory_space<vmem>>, vector<16xi32>,
    %shift_left3A_1091 = arith.constant 18 : i32
    %shift_left3A_1092 = vector.broadcast %shift_left3A_1091 : i32 to vector<16xi32>
    %shift_left3A_1093 = arith.shli %get3A_1090, %shift_left3A_1092 : vector<16xi32>
    %or3A_1094 = arith.ori %or3A_1088, %shift_left3A_1093 : vector<16xi32>
    %get3A_1095 = arith.constant 2208 : index
    %get3A_1096 = tpu.vector_load %arg5[%get3A_1095] {strides = array<i32>} : memref<3584xi32, #tpu.memory_space<vmem>>, vector<16xi32>,
    %shift_left3A_1097 = arith.constant 19 : i32
    %shift_left3A_1098 = vector.broadcast %shift_left3A_1097 : i32 to vector<16xi32>
    %shift_left3A_1099 = arith.shli %get3A_1096, %shift_left3A_1098 : vector<16xi32>
    %or3A_1100 = arith.ori %or3A_1094, %shift_left3A_1099 : vector<16xi32>
    %get3A_1101 = arith.constant 2320 : index
    %get3A_1102 = tpu.vector_load %arg5[%get3A_1101] {strides = array<i32>} : memref<3584xi32, #tpu.memory_space<vmem>>, vector<16xi32>,
    %shift_left3A_1103 = arith.constant 20 : i32
    %shift_left3A_1104 = vector.broadcast %shift_left3A_1103 : i32 to vector<16xi32>
    %shift_left3A_1105 = arith.shli %get3A_1102, %shift_left3A_1104 : vector<16xi32>
    %or3A_1106 = arith.ori %or3A_1100, %shift_left3A_1105 : vector<16xi32>
    %get3A_1107 = arith.constant 2432 : index
    %get3A_1108 = tpu.vector_load %arg5[%get3A_1107] {strides = array<i32>} : memref<3584xi32, #tpu.memory_space<vmem>>, vector<16xi32>,
    %shift_left3A_1109 = arith.constant 21 : i32
    %shift_left3A_1110 = vector.broadcast %shift_left3A_1109 : i32 to vector<16xi32>
    %shift_left3A_1111 = arith.shli %get3A_1108, %shift_left3A_1110 : vector<16xi32>
    %or3A_1112 = arith.ori %or3A_1106, %shift_left3A_1111 : vector<16xi32>
    %get3A_1113 = arith.constant 2544 : index
    %get3A_1114 = tpu.vector_load %arg5[%get3A_1113] {strides = array<i32>} : memref<3584xi32, #tpu.memory_space<vmem>>, vector<16xi32>,
    %shift_left3A_1115 = arith.constant 22 : i32
    %shift_left3A_1116 = vector.broadcast %shift_left3A_1115 : i32 to vector<16xi32>
    %shift_left3A_1117 = arith.shli %get3A_1114, %shift_left3A_1116 : vector<16xi32>
    %or3A_1118 = arith.ori %or3A_1112, %shift_left3A_1117 : vector<16xi32>
    %get3A_1119 = arith.constant 2656 : index
    %get3A_1120 = tpu.vector_load %arg5[%get3A_1119] {strides = array<i32>} : memref<3584xi32, #tpu.memory_space<vmem>>, vector<16xi32>,
    %shift_left3A_1121 = arith.constant 23 : i32
    %shift_left3A_1122 = vector.broadcast %shift_left3A_1121 : i32 to vector<16xi32>
    %shift_left3A_1123 = arith.shli %get3A_1120, %shift_left3A_1122 : vector<16xi32>
    %or3A_1124 = arith.ori %or3A_1118, %shift_left3A_1123 : vector<16xi32>
    %get3A_1125 = arith.constant 2768 : index
    %get3A_1126 = tpu.vector_load %arg5[%get3A_1125] {strides = array<i32>} : memref<3584xi32, #tpu.memory_space<vmem>>, vector<16xi32>,
    %shift_left3A_1127 = arith.constant 24 : i32
    %shift_left3A_1128 = vector.broadcast %shift_left3A_1127 : i32 to vector<16xi32>
    %shift_left3A_1129 = arith.shli %get3A_1126, %shift_left3A_1128 : vector<16xi32>
    %or3A_1130 = arith.ori %or3A_1124, %shift_left3A_1129 : vector<16xi32>
    %get3A_1131 = arith.constant 2880 : index
    %get3A_1132 = tpu.vector_load %arg5[%get3A_1131] {strides = array<i32>} : memref<3584xi32, #tpu.memory_space<vmem>>, vector<16xi32>,
    %shift_left3A_1133 = arith.constant 25 : i32
    %shift_left3A_1134 = vector.broadcast %shift_left3A_1133 : i32 to vector<16xi32>
    %shift_left3A_1135 = arith.shli %get3A_1132, %shift_left3A_1134 : vector<16xi32>
    %or3A_1136 = arith.ori %or3A_1130, %shift_left3A_1135 : vector<16xi32>
    %get3A_1137 = arith.constant 2992 : index
    %get3A_1138 = tpu.vector_load %arg5[%get3A_1137] {strides = array<i32>} : memref<3584xi32, #tpu.memory_space<vmem>>, vector<16xi32>,
    %shift_left3A_1139 = arith.constant 26 : i32
    %shift_left3A_1140 = vector.broadcast %shift_left3A_1139 : i32 to vector<16xi32>
    %shift_left3A_1141 = arith.shli %get3A_1138, %shift_left3A_1140 : vector<16xi32>
    %or3A_1142 = arith.ori %or3A_1136, %shift_left3A_1141 : vector<16xi32>
    %get3A_1143 = arith.constant 3104 : index
    %get3A_1144 = tpu.vector_load %arg5[%get3A_1143] {strides = array<i32>} : memref<3584xi32, #tpu.memory_space<vmem>>, vector<16xi32>,
    %shift_left3A_1145 = arith.constant 27 : i32
    %shift_left3A_1146 = vector.broadcast %shift_left3A_1145 : i32 to vector<16xi32>
    %shift_left3A_1147 = arith.shli %get3A_1144, %shift_left3A_1146 : vector<16xi32>
    %or3A_1148 = arith.ori %or3A_1142, %shift_left3A_1147 : vector<16xi32>
    %get3A_1149 = arith.constant 3216 : index
    %get3A_1150 = tpu.vector_load %arg5[%get3A_1149] {strides = array<i32>} : memref<3584xi32, #tpu.memory_space<vmem>>, vector<16xi32>,
    %shift_left3A_1151 = arith.constant 28 : i32
    %shift_left3A_1152 = vector.broadcast %shift_left3A_1151 : i32 to vector<16xi32>
    %shift_left3A_1153 = arith.shli %get3A_1150, %shift_left3A_1152 : vector<16xi32>
    %or3A_1154 = arith.ori %or3A_1148, %shift_left3A_1153 : vector<16xi32>
    %get3A_1155 = arith.constant 3328 : index
    %get3A_1156 = tpu.vector_load %arg5[%get3A_1155] {strides = array<i32>} : memref<3584xi32, #tpu.memory_space<vmem>>, vector<16xi32>,
    %shift_left3A_1157 = arith.constant 29 : i32
    %shift_left3A_1158 = vector.broadcast %shift_left3A_1157 : i32 to vector<16xi32>
    %shift_left3A_1159 = arith.shli %get3A_1156, %shift_left3A_1158 : vector<16xi32>
    %or3A_1160 = arith.ori %or3A_1154, %shift_left3A_1159 : vector<16xi32>
    %get3A_1161 = arith.constant 3440 : index
    %get3A_1162 = tpu.vector_load %arg5[%get3A_1161] {strides = array<i32>} : memref<3584xi32, #tpu.memory_space<vmem>>, vector<16xi32>,
    %shift_left3A_1163 = arith.constant 30 : i32
    %shift_left3A_1164 = vector.broadcast %shift_left3A_1163 : i32 to vector<16xi32>
    %shift_left3A_1165 = arith.shli %get3A_1162, %shift_left3A_1164 : vector<16xi32>
    %or3A_1166 = arith.ori %or3A_1160, %shift_left3A_1165 : vector<16xi32>
    %get3A_1167 = arith.constant 3552 : index
    %get3A_1168 = tpu.vector_load %arg5[%get3A_1167] {strides = array<i32>} : memref<3584xi32, #tpu.memory_space<vmem>>, vector<16xi32>,
    %shift_left3A_1169 = arith.constant 31 : i32
    %shift_left3A_1170 = vector.broadcast %shift_left3A_1169 : i32 to vector<16xi32>
    %shift_left3A_1171 = arith.shli %get3A_1168, %shift_left3A_1170 : vector<16xi32>
    %or3A_1172 = arith.ori %or3A_1166, %shift_left3A_1171 : vector<16xi32>
    %swap3A_1173 = arith.constant 80 : index
    %swap3A_1174 = tpu.vector_load %arg6[%swap3A_1173] {strides = array<i32>} : memref<112xi32, #tpu.memory_space<vmem>>, vector<16xi32>,
    tpu.vector_store %arg6[%swap3A_1173], %or3A_1172 {strides = array<i32>} : memref<112xi32, #tpu.memory_space<vmem>>, vector<16xi32>,
    %broadcast_in_dim3A_1175 = arith.constant 0 : i32
    %broadcast_in_dim3A_1176 = vector.broadcast %broadcast_in_dim3A_1175 : i32 to vector<16xi32>
    %get3A_1177 = arith.constant 96 : index
    %get3A_1178 = tpu.vector_load %arg5[%get3A_1177] {strides = array<i32>} : memref<3584xi32, #tpu.memory_space<vmem>>, vector<16xi32>,
    %shift_left3A_1179 = arith.constant 0 : i32
    %shift_left3A_1180 = vector.broadcast %shift_left3A_1179 : i32 to vector<16xi32>
    %shift_left3A_1181 = arith.shli %get3A_1178, %shift_left3A_1180 : vector<16xi32>
    %or3A_1182 = arith.ori %broadcast_in_dim3A_1176, %shift_left3A_1181 : vector<16xi32>
    %get3A_1183 = arith.constant 208 : index
    %get3A_1184 = tpu.vector_load %arg5[%get3A_1183] {strides = array<i32>} : memref<3584xi32, #tpu.memory_space<vmem>>, vector<16xi32>,
    %shift_left3A_1185 = arith.constant 1 : i32
    %shift_left3A_1186 = vector.broadcast %shift_left3A_1185 : i32 to vector<16xi32>
    %shift_left3A_1187 = arith.shli %get3A_1184, %shift_left3A_1186 : vector<16xi32>
    %or3A_1188 = arith.ori %or3A_1182, %shift_left3A_1187 : vector<16xi32>
    %get3A_1189 = arith.constant 320 : index
    %get3A_1190 = tpu.vector_load %arg5[%get3A_1189] {strides = array<i32>} : memref<3584xi32, #tpu.memory_space<vmem>>, vector<16xi32>,
    %shift_left3A_1191 = arith.constant 2 : i32
    %shift_left3A_1192 = vector.broadcast %shift_left3A_1191 : i32 to vector<16xi32>
    %shift_left3A_1193 = arith.shli %get3A_1190, %shift_left3A_1192 : vector<16xi32>
    %or3A_1194 = arith.ori %or3A_1188, %shift_left3A_1193 : vector<16xi32>
    %get3A_1195 = arith.constant 432 : index
    %get3A_1196 = tpu.vector_load %arg5[%get3A_1195] {strides = array<i32>} : memref<3584xi32, #tpu.memory_space<vmem>>, vector<16xi32>,
    %shift_left3A_1197 = arith.constant 3 : i32
    %shift_left3A_1198 = vector.broadcast %shift_left3A_1197 : i32 to vector<16xi32>
    %shift_left3A_1199 = arith.shli %get3A_1196, %shift_left3A_1198 : vector<16xi32>
    %or3A_1200 = arith.ori %or3A_1194, %shift_left3A_1199 : vector<16xi32>
    %get3A_1201 = arith.constant 544 : index
    %get3A_1202 = tpu.vector_load %arg5[%get3A_1201] {strides = array<i32>} : memref<3584xi32, #tpu.memory_space<vmem>>, vector<16xi32>,
    %shift_left3A_1203 = arith.constant 4 : i32
    %shift_left3A_1204 = vector.broadcast %shift_left3A_1203 : i32 to vector<16xi32>
    %shift_left3A_1205 = arith.shli %get3A_1202, %shift_left3A_1204 : vector<16xi32>
    %or3A_1206 = arith.ori %or3A_1200, %shift_left3A_1205 : vector<16xi32>
    %get3A_1207 = arith.constant 656 : index
    %get3A_1208 = tpu.vector_load %arg5[%get3A_1207] {strides = array<i32>} : memref<3584xi32, #tpu.memory_space<vmem>>, vector<16xi32>,
    %shift_left3A_1209 = arith.constant 5 : i32
    %shift_left3A_1210 = vector.broadcast %shift_left3A_1209 : i32 to vector<16xi32>
    %shift_left3A_1211 = arith.shli %get3A_1208, %shift_left3A_1210 : vector<16xi32>
    %or3A_1212 = arith.ori %or3A_1206, %shift_left3A_1211 : vector<16xi32>
    %get3A_1213 = arith.constant 768 : index
    %get3A_1214 = tpu.vector_load %arg5[%get3A_1213] {strides = array<i32>} : memref<3584xi32, #tpu.memory_space<vmem>>, vector<16xi32>,
    %shift_left3A_1215 = arith.constant 6 : i32
    %shift_left3A_1216 = vector.broadcast %shift_left3A_1215 : i32 to vector<16xi32>
    %shift_left3A_1217 = arith.shli %get3A_1214, %shift_left3A_1216 : vector<16xi32>
    %or3A_1218 = arith.ori %or3A_1212, %shift_left3A_1217 : vector<16xi32>
    %get3A_1219 = arith.constant 880 : index
    %get3A_1220 = tpu.vector_load %arg5[%get3A_1219] {strides = array<i32>} : memref<3584xi32, #tpu.memory_space<vmem>>, vector<16xi32>,
    %shift_left3A_1221 = arith.constant 7 : i32
    %shift_left3A_1222 = vector.broadcast %shift_left3A_1221 : i32 to vector<16xi32>
    %shift_left3A_1223 = arith.shli %get3A_1220, %shift_left3A_1222 : vector<16xi32>
    %or3A_1224 = arith.ori %or3A_1218, %shift_left3A_1223 : vector<16xi32>
    %get3A_1225 = arith.constant 992 : index
    %get3A_1226 = tpu.vector_load %arg5[%get3A_1225] {strides = array<i32>} : memref<3584xi32, #tpu.memory_space<vmem>>, vector<16xi32>,
    %shift_left3A_1227 = arith.constant 8 : i32
    %shift_left3A_1228 = vector.broadcast %shift_left3A_1227 : i32 to vector<16xi32>
    %shift_left3A_1229 = arith.shli %get3A_1226, %shift_left3A_1228 : vector<16xi32>
    %or3A_1230 = arith.ori %or3A_1224, %shift_left3A_1229 : vector<16xi32>
    %get3A_1231 = arith.constant 1104 : index
    %get3A_1232 = tpu.vector_load %arg5[%get3A_1231] {strides = array<i32>} : memref<3584xi32, #tpu.memory_space<vmem>>, vector<16xi32>,
    %shift_left3A_1233 = arith.constant 9 : i32
    %shift_left3A_1234 = vector.broadcast %shift_left3A_1233 : i32 to vector<16xi32>
    %shift_left3A_1235 = arith.shli %get3A_1232, %shift_left3A_1234 : vector<16xi32>
    %or3A_1236 = arith.ori %or3A_1230, %shift_left3A_1235 : vector<16xi32>
    %get3A_1237 = arith.constant 1216 : index
    %get3A_1238 = tpu.vector_load %arg5[%get3A_1237] {strides = array<i32>} : memref<3584xi32, #tpu.memory_space<vmem>>, vector<16xi32>,
    %shift_left3A_1239 = arith.constant 10 : i32
    %shift_left3A_1240 = vector.broadcast %shift_left3A_1239 : i32 to vector<16xi32>
    %shift_left3A_1241 = arith.shli %get3A_1238, %shift_left3A_1240 : vector<16xi32>
    %or3A_1242 = arith.ori %or3A_1236, %shift_left3A_1241 : vector<16xi32>
    %get3A_1243 = arith.constant 1328 : index
    %get3A_1244 = tpu.vector_load %arg5[%get3A_1243] {strides = array<i32>} : memref<3584xi32, #tpu.memory_space<vmem>>, vector<16xi32>,
    %shift_left3A_1245 = arith.constant 11 : i32
    %shift_left3A_1246 = vector.broadcast %shift_left3A_1245 : i32 to vector<16xi32>
    %shift_left3A_1247 = arith.shli %get3A_1244, %shift_left3A_1246 : vector<16xi32>
    %or3A_1248 = arith.ori %or3A_1242, %shift_left3A_1247 : vector<16xi32>
    %get3A_1249 = arith.constant 1440 : index
    %get3A_1250 = tpu.vector_load %arg5[%get3A_1249] {strides = array<i32>} : memref<3584xi32, #tpu.memory_space<vmem>>, vector<16xi32>,
    %shift_left3A_1251 = arith.constant 12 : i32
    %shift_left3A_1252 = vector.broadcast %shift_left3A_1251 : i32 to vector<16xi32>
    %shift_left3A_1253 = arith.shli %get3A_1250, %shift_left3A_1252 : vector<16xi32>
    %or3A_1254 = arith.ori %or3A_1248, %shift_left3A_1253 : vector<16xi32>
    %get3A_1255 = arith.constant 1552 : index
    %get3A_1256 = tpu.vector_load %arg5[%get3A_1255] {strides = array<i32>} : memref<3584xi32, #tpu.memory_space<vmem>>, vector<16xi32>,
    %shift_left3A_1257 = arith.constant 13 : i32
    %shift_left3A_1258 = vector.broadcast %shift_left3A_1257 : i32 to vector<16xi32>
    %shift_left3A_1259 = arith.shli %get3A_1256, %shift_left3A_1258 : vector<16xi32>
    %or3A_1260 = arith.ori %or3A_1254, %shift_left3A_1259 : vector<16xi32>
    %get3A_1261 = arith.constant 1664 : index
    %get3A_1262 = tpu.vector_load %arg5[%get3A_1261] {strides = array<i32>} : memref<3584xi32, #tpu.memory_space<vmem>>, vector<16xi32>,
    %shift_left3A_1263 = arith.constant 14 : i32
    %shift_left3A_1264 = vector.broadcast %shift_left3A_1263 : i32 to vector<16xi32>
    %shift_left3A_1265 = arith.shli %get3A_1262, %shift_left3A_1264 : vector<16xi32>
    %or3A_1266 = arith.ori %or3A_1260, %shift_left3A_1265 : vector<16xi32>
    %get3A_1267 = arith.constant 1776 : index
    %get3A_1268 = tpu.vector_load %arg5[%get3A_1267] {strides = array<i32>} : memref<3584xi32, #tpu.memory_space<vmem>>, vector<16xi32>,
    %shift_left3A_1269 = arith.constant 15 : i32
    %shift_left3A_1270 = vector.broadcast %shift_left3A_1269 : i32 to vector<16xi32>
    %shift_left3A_1271 = arith.shli %get3A_1268, %shift_left3A_1270 : vector<16xi32>
    %or3A_1272 = arith.ori %or3A_1266, %shift_left3A_1271 : vector<16xi32>
    %get3A_1273 = arith.constant 1888 : index
    %get3A_1274 = tpu.vector_load %arg5[%get3A_1273] {strides = array<i32>} : memref<3584xi32, #tpu.memory_space<vmem>>, vector<16xi32>,
    %shift_left3A_1275 = arith.constant 16 : i32
    %shift_left3A_1276 = vector.broadcast %shift_left3A_1275 : i32 to vector<16xi32>
    %shift_left3A_1277 = arith.shli %get3A_1274, %shift_left3A_1276 : vector<16xi32>
    %or3A_1278 = arith.ori %or3A_1272, %shift_left3A_1277 : vector<16xi32>
    %get3A_1279 = arith.constant 2000 : index
    %get3A_1280 = tpu.vector_load %arg5[%get3A_1279] {strides = array<i32>} : memref<3584xi32, #tpu.memory_space<vmem>>, vector<16xi32>,
    %shift_left3A_1281 = arith.constant 17 : i32
    %shift_left3A_1282 = vector.broadcast %shift_left3A_1281 : i32 to vector<16xi32>
    %shift_left3A_1283 = arith.shli %get3A_1280, %shift_left3A_1282 : vector<16xi32>
    %or3A_1284 = arith.ori %or3A_1278, %shift_left3A_1283 : vector<16xi32>
    %get3A_1285 = arith.constant 2112 : index
    %get3A_1286 = tpu.vector_load %arg5[%get3A_1285] {strides = array<i32>} : memref<3584xi32, #tpu.memory_space<vmem>>, vector<16xi32>,
    %shift_left3A_1287 = arith.constant 18 : i32
    %shift_left3A_1288 = vector.broadcast %shift_left3A_1287 : i32 to vector<16xi32>
    %shift_left3A_1289 = arith.shli %get3A_1286, %shift_left3A_1288 : vector<16xi32>
    %or3A_1290 = arith.ori %or3A_1284, %shift_left3A_1289 : vector<16xi32>
    %get3A_1291 = arith.constant 2224 : index
    %get3A_1292 = tpu.vector_load %arg5[%get3A_1291] {strides = array<i32>} : memref<3584xi32, #tpu.memory_space<vmem>>, vector<16xi32>,
    %shift_left3A_1293 = arith.constant 19 : i32
    %shift_left3A_1294 = vector.broadcast %shift_left3A_1293 : i32 to vector<16xi32>
    %shift_left3A_1295 = arith.shli %get3A_1292, %shift_left3A_1294 : vector<16xi32>
    %or3A_1296 = arith.ori %or3A_1290, %shift_left3A_1295 : vector<16xi32>
    %get3A_1297 = arith.constant 2336 : index
    %get3A_1298 = tpu.vector_load %arg5[%get3A_1297] {strides = array<i32>} : memref<3584xi32, #tpu.memory_space<vmem>>, vector<16xi32>,
    %shift_left3A_1299 = arith.constant 20 : i32
    %shift_left3A_1300 = vector.broadcast %shift_left3A_1299 : i32 to vector<16xi32>
    %shift_left3A_1301 = arith.shli %get3A_1298, %shift_left3A_1300 : vector<16xi32>
    %or3A_1302 = arith.ori %or3A_1296, %shift_left3A_1301 : vector<16xi32>
    %get3A_1303 = arith.constant 2448 : index
    %get3A_1304 = tpu.vector_load %arg5[%get3A_1303] {strides = array<i32>} : memref<3584xi32, #tpu.memory_space<vmem>>, vector<16xi32>,
    %shift_left3A_1305 = arith.constant 21 : i32
    %shift_left3A_1306 = vector.broadcast %shift_left3A_1305 : i32 to vector<16xi32>
    %shift_left3A_1307 = arith.shli %get3A_1304, %shift_left3A_1306 : vector<16xi32>
    %or3A_1308 = arith.ori %or3A_1302, %shift_left3A_1307 : vector<16xi32>
    %get3A_1309 = arith.constant 2560 : index
    %get3A_1310 = tpu.vector_load %arg5[%get3A_1309] {strides = array<i32>} : memref<3584xi32, #tpu.memory_space<vmem>>, vector<16xi32>,
    %shift_left3A_1311 = arith.constant 22 : i32
    %shift_left3A_1312 = vector.broadcast %shift_left3A_1311 : i32 to vector<16xi32>
    %shift_left3A_1313 = arith.shli %get3A_1310, %shift_left3A_1312 : vector<16xi32>
    %or3A_1314 = arith.ori %or3A_1308, %shift_left3A_1313 : vector<16xi32>
    %get3A_1315 = arith.constant 2672 : index
    %get3A_1316 = tpu.vector_load %arg5[%get3A_1315] {strides = array<i32>} : memref<3584xi32, #tpu.memory_space<vmem>>, vector<16xi32>,
    %shift_left3A_1317 = arith.constant 23 : i32
    %shift_left3A_1318 = vector.broadcast %shift_left3A_1317 : i32 to vector<16xi32>
    %shift_left3A_1319 = arith.shli %get3A_1316, %shift_left3A_1318 : vector<16xi32>
    %or3A_1320 = arith.ori %or3A_1314, %shift_left3A_1319 : vector<16xi32>
    %get3A_1321 = arith.constant 2784 : index
    %get3A_1322 = tpu.vector_load %arg5[%get3A_1321] {strides = array<i32>} : memref<3584xi32, #tpu.memory_space<vmem>>, vector<16xi32>,
    %shift_left3A_1323 = arith.constant 24 : i32
    %shift_left3A_1324 = vector.broadcast %shift_left3A_1323 : i32 to vector<16xi32>
    %shift_left3A_1325 = arith.shli %get3A_1322, %shift_left3A_1324 : vector<16xi32>
    %or3A_1326 = arith.ori %or3A_1320, %shift_left3A_1325 : vector<16xi32>
    %get3A_1327 = arith.constant 2896 : index
    %get3A_1328 = tpu.vector_load %arg5[%get3A_1327] {strides = array<i32>} : memref<3584xi32, #tpu.memory_space<vmem>>, vector<16xi32>,
    %shift_left3A_1329 = arith.constant 25 : i32
    %shift_left3A_1330 = vector.broadcast %shift_left3A_1329 : i32 to vector<16xi32>
    %shift_left3A_1331 = arith.shli %get3A_1328, %shift_left3A_1330 : vector<16xi32>
    %or3A_1332 = arith.ori %or3A_1326, %shift_left3A_1331 : vector<16xi32>
    %get3A_1333 = arith.constant 3008 : index
    %get3A_1334 = tpu.vector_load %arg5[%get3A_1333] {strides = array<i32>} : memref<3584xi32, #tpu.memory_space<vmem>>, vector<16xi32>,
    %shift_left3A_1335 = arith.constant 26 : i32
    %shift_left3A_1336 = vector.broadcast %shift_left3A_1335 : i32 to vector<16xi32>
    %shift_left3A_1337 = arith.shli %get3A_1334, %shift_left3A_1336 : vector<16xi32>
    %or3A_1338 = arith.ori %or3A_1332, %shift_left3A_1337 : vector<16xi32>
    %get3A_1339 = arith.constant 3120 : index
    %get3A_1340 = tpu.vector_load %arg5[%get3A_1339] {strides = array<i32>} : memref<3584xi32, #tpu.memory_space<vmem>>, vector<16xi32>,
    %shift_left3A_1341 = arith.constant 27 : i32
    %shift_left3A_1342 = vector.broadcast %shift_left3A_1341 : i32 to vector<16xi32>
    %shift_left3A_1343 = arith.shli %get3A_1340, %shift_left3A_1342 : vector<16xi32>
    %or3A_1344 = arith.ori %or3A_1338, %shift_left3A_1343 : vector<16xi32>
    %get3A_1345 = arith.constant 3232 : index
    %get3A_1346 = tpu.vector_load %arg5[%get3A_1345] {strides = array<i32>} : memref<3584xi32, #tpu.memory_space<vmem>>, vector<16xi32>,
    %shift_left3A_1347 = arith.constant 28 : i32
    %shift_left3A_1348 = vector.broadcast %shift_left3A_1347 : i32 to vector<16xi32>
    %shift_left3A_1349 = arith.shli %get3A_1346, %shift_left3A_1348 : vector<16xi32>
    %or3A_1350 = arith.ori %or3A_1344, %shift_left3A_1349 : vector<16xi32>
    %get3A_1351 = arith.constant 3344 : index
    %get3A_1352 = tpu.vector_load %arg5[%get3A_1351] {strides = array<i32>} : memref<3584xi32, #tpu.memory_space<vmem>>, vector<16xi32>,
    %shift_left3A_1353 = arith.constant 29 : i32
    %shift_left3A_1354 = vector.broadcast %shift_left3A_1353 : i32 to vector<16xi32>
    %shift_left3A_1355 = arith.shli %get3A_1352, %shift_left3A_1354 : vector<16xi32>
    %or3A_1356 = arith.ori %or3A_1350, %shift_left3A_1355 : vector<16xi32>
    %get3A_1357 = arith.constant 3456 : index
    %get3A_1358 = tpu.vector_load %arg5[%get3A_1357] {strides = array<i32>} : memref<3584xi32, #tpu.memory_space<vmem>>, vector<16xi32>,
    %shift_left3A_1359 = arith.constant 30 : i32
    %shift_left3A_1360 = vector.broadcast %shift_left3A_1359 : i32 to vector<16xi32>
    %shift_left3A_1361 = arith.shli %get3A_1358, %shift_left3A_1360 : vector<16xi32>
    %or3A_1362 = arith.ori %or3A_1356, %shift_left3A_1361 : vector<16xi32>
    %get3A_1363 = arith.constant 3568 : index
    %get3A_1364 = tpu.vector_load %arg5[%get3A_1363] {strides = array<i32>} : memref<3584xi32, #tpu.memory_space<vmem>>, vector<16xi32>,
    %shift_left3A_1365 = arith.constant 31 : i32
    %shift_left3A_1366 = vector.broadcast %shift_left3A_1365 : i32 to vector<16xi32>
    %shift_left3A_1367 = arith.shli %get3A_1364, %shift_left3A_1366 : vector<16xi32>
    %or3A_1368 = arith.ori %or3A_1362, %shift_left3A_1367 : vector<16xi32>
    %swap3A_1369 = arith.constant 96 : index
    %swap3A_1370 = tpu.vector_load %arg6[%swap3A_1369] {strides = array<i32>} : memref<112xi32, #tpu.memory_space<vmem>>, vector<16xi32>,
    tpu.vector_store %arg6[%swap3A_1369], %or3A_1368 {strides = array<i32>} : memref<112xi32, #tpu.memory_space<vmem>>, vector<16xi32>,
    %dma_wait3A = tpu.memref_slice %arg2[%mul3A_2] : memref<262144xi32, #tpu.memory_space<hbm>> -> memref<8192xi32, #tpu.memory_space<hbm>>
    %dma_wait3A_1371 = tpu.memref_slice %arg2[%mul3A_2] : memref<262144xi32, #tpu.memory_space<hbm>> -> memref<8192xi32, #tpu.memory_space<hbm>>
    tpu.wait_dma2 semaphore(%arg9 : memref<!tpu.dma_semaphore, #tpu.memory_space<semaphore_mem>>) src(%dma_wait3A_1371 : memref<8192xi32, #tpu.memory_space<hbm>>) dst(%arg7 : memref<8192xi32, #tpu.memory_space<vmem>>)
    %parallel_loop3A = arith.constant 0 : i32
    %parallel_loop3A_1372 = arith.constant 8192 : i32
    %parallel_loop3A_1373 = arith.constant 16 : i32
    scf.for %parallel_loop3A_1376 = %parallel_loop3A to %parallel_loop3A_1372 step %parallel_loop3A_1373  : i32 {
      %parallel_loop3A_1377 = arith.index_cast %parallel_loop3A_1376 : i32 to index
      %parallel_loop3A_1378 = tpu.vector_load %arg7[%parallel_loop3A_1377] {strides = array<i32>} : memref<8192xi32, #tpu.memory_space<vmem>>, vector<16xi32>,
      %parallel_loop3A_1379 = tpu.vector_load_idx %arg6[%parallel_loop3A_1378] : memref<112xi32, #tpu.memory_space<vmem>>[vector<16xi32>], vector<16xi32>,
      %parallel_loop3A_1380 = arith.index_cast %parallel_loop3A_1376 : i32 to index
      %parallel_loop3A_1381 = tpu.vector_load %arg8[%parallel_loop3A_1380] {strides = array<i32>} : memref<8192xi32, #tpu.memory_space<vmem>>, vector<16xi32>,
      tpu.vector_store %arg8[%parallel_loop3A_1380], %parallel_loop3A_1379 {strides = array<i32>} : memref<8192xi32, #tpu.memory_space<vmem>>, vector<16xi32>,
    } {sc.loop_unroll_factor = 8 : i64, sc.parallel_access}
    %mul3A_1374 = arith.constant 8192 : i32
    %mul3A_1375 = arith.muli %add3A, %mul3A_1374 : i32
    "tpu.region"() ({
      %run_scoped3A = tpu.sem_alloc : memref<!tpu.dma_semaphore, #tpu.memory_space<semaphore_mem>>
      %dma_start3A_1376 = tpu.memref_slice %arg4[%mul3A_1375] : memref<262144xi32, #tpu.memory_space<hbm>> -> memref<8192xi32, #tpu.memory_space<hbm>>
      %dma_start3A_1377 = tpu.memref_slice %arg4[%mul3A_1375] : memref<262144xi32, #tpu.memory_space<hbm>> -> memref<8192xi32, #tpu.memory_space<hbm>>
      tpu.enqueue_dma source(%arg8 : memref<8192xi32, #tpu.memory_space<vmem>>) target(%dma_start3A_1377 : memref<8192xi32, #tpu.memory_space<hbm>>) target_semaphore(%run_scoped3A : memref<!tpu.dma_semaphore, #tpu.memory_space<semaphore_mem>>)
      %dma_wait3A_1378 = tpu.memref_slice %arg4[%mul3A_1375] : memref<262144xi32, #tpu.memory_space<hbm>> -> memref<8192xi32, #tpu.memory_space<hbm>>
      %dma_wait3A_1379 = tpu.memref_slice %arg4[%mul3A_1375] : memref<262144xi32, #tpu.memory_space<hbm>> -> memref<8192xi32, #tpu.memory_space<hbm>>
      tpu.wait_dma2 semaphore(%run_scoped3A : memref<!tpu.dma_semaphore, #tpu.memory_space<semaphore_mem>>) src(%arg8 : memref<8192xi32, #tpu.memory_space<vmem>>) dst(%dma_wait3A_1379 : memref<8192xi32, #tpu.memory_space<hbm>>)
      tpu.yield
    }) : () -> ()
    return
  }
}

module attributes {stable_mosaic.version = 14 : i64} {
  func.func @_tc_body(%arg0: i32, %arg1: memref<3x512x512xf32, #tpu.memory_space<vmem>>, %arg2: memref<512x512xi32, #tpu.memory_space<vmem>>, %arg3: memref<2x3x512x512xf32, #tpu.memory_space<vmem>>, %arg4: memref<1xf32, #tpu.memory_space<smem>>) attributes {dimension_semantics = [#tpu.dimension_semantics<arbitrary>], iteration_bounds = array<i64: 16>, scalar_prefetch = 0 : i64, scratch_operands = 1 : i64, tpu.core_type = #tpu.core_type<tc>, window_params = [{pipeline_mode = #tpu.pipeline_mode<synchronous>, transform_indices = @transform_0, window_bounds = array<i64: 3, 512, 512>}, {pipeline_mode = #tpu.pipeline_mode<synchronous>, transform_indices = @transform_1, window_bounds = array<i64: 512, 512>}, {transform_indices = @transform_2, window_bounds = array<i64: 2, 3, 512, 512>}]} {
    %get3A = arith.constant 0 : index
    %get3A_0 = arith.constant 0 : index
    %get3A_1 = arith.constant 0 : index
    %get3A_2 = vector.load %arg1[%get3A, %get3A_0, %get3A_1] : memref<3x512x512xf32, #tpu.memory_space<vmem>>, vector<3x512x512xf32>
    %get3A_3 = arith.constant 0 : index
    %get3A_4 = arith.constant 0 : index
    %get3A_5 = vector.load %arg2[%get3A_3, %get3A_4] : memref<512x512xi32, #tpu.memory_space<vmem>>, vector<512x512xi32>
    %eq3A = arith.constant 0 : i32
    %eq3A_6 = arith.cmpi eq, %arg0, %eq3A : i32
    %convert_element_type3A = arith.extui %eq3A_6 : i1 to i32
    %cond3A = arith.constant 0 : i32
    %cond3A_7 = arith.cmpi ne, %convert_element_type3A, %cond3A : i32
    scf.if %cond3A_7 {
      %reduce_sum3A = vector.shape_cast %get3A_2 : vector<3x512x512xf32> to vector<1x3x512x512xf32>
      %reduce_sum3A_48 = arith.constant dense<0.000000e+00> : vector<1xf32>
      %reduce_sum3A_49 = vector.multi_reduction <add>, %reduce_sum3A, %reduce_sum3A_48 [1, 2, 3] : vector<1x3x512x512xf32> to vector<1xf32>
      %reduce_sum3A_50 = vector.shape_cast %reduce_sum3A_49 : vector<1xf32> to vector<1x1x1x1xf32>
      %reduce_sum3A_51 = vector.extract %reduce_sum3A_50[0, 0, 0, 0] : f32 from vector<1x1x1x1xf32>
      %mul3A_52 = arith.constant 1.27156579E-6 : f32
      %mul3A_53 = arith.mulf %reduce_sum3A_51, %mul3A_52 : f32
      %swap3A_54 = arith.constant 0 : index
      %swap3A_55 = memref.load %arg4[%swap3A_54] : memref<1xf32, #tpu.memory_space<smem>>
      memref.store %mul3A_53, %arg4[%swap3A_54] : memref<1xf32, #tpu.memory_space<smem>>
    } else {
    }
    %get3A_8 = arith.constant 0 : index
    %get3A_9 = memref.load %arg4[%get3A_8] : memref<1xf32, #tpu.memory_space<smem>>
    %mul3A = arith.constant 2 : i32
    %mul3A_10 = arith.muli %mul3A, %arg0 : i32
    %add3A = arith.constant 0 : i32
    %add3A_11 = arith.addi %mul3A_10, %add3A : i32
    %shift_left3A = arith.constant 1 : i32
    %shift_left3A_12 = arith.shli %shift_left3A, %add3A_11 : i32
    %and3A = vector.broadcast %shift_left3A_12 : i32 to vector<512x512xi32>
    %and3A_13 = arith.andi %get3A_5, %and3A : vector<512x512xi32>
    %ne3A = arith.constant 0 : i32
    %ne3A_14 = vector.broadcast %ne3A : i32 to vector<512x512xi32>
    %ne3A_15 = arith.cmpi ne, %and3A_13, %ne3A_14 : vector<512x512xi32>
    %broadcast_in_dim3A = vector.shape_cast %ne3A_15 : vector<512x512xi1> to vector<1x512x512xi1>
    %broadcast_in_dim3A_16 = vector.shape_cast %broadcast_in_dim3A : vector<1x512x512xi1> to vector<1x512x512xi1>
    %broadcast_in_dim3A_17 = vector.broadcast %broadcast_in_dim3A_16 : vector<1x512x512xi1> to vector<3x512x512xi1>
    %broadcast_in_dim3A_18 = vector.broadcast %get3A_9 : f32 to vector<3x512x512xf32>
    %select_n3A = arith.select %broadcast_in_dim3A_17, %broadcast_in_dim3A_18, %get3A_2 : vector<3x512x512xi1>, vector<3x512x512xf32>
    %swap3A = arith.constant 0 : index
    %swap3A_19 = arith.constant 0 : index
    %swap3A_20 = arith.constant 0 : index
    %swap3A_21 = arith.constant 0 : index
    %swap3A_22 = vector.load %arg3[%swap3A, %swap3A_19, %swap3A_20, %swap3A_21] : memref<2x3x512x512xf32, #tpu.memory_space<vmem>>, vector<1x3x512x512xf32>
    %swap3A_23 = vector.shape_cast %swap3A_22 : vector<1x3x512x512xf32> to vector<3x512x512xf32>
    %swap3A_24 = vector.shape_cast %select_n3A : vector<3x512x512xf32> to vector<1x3x512x512xf32>
    tpu.vector_store %arg3[%swap3A, %swap3A_19, %swap3A_20, %swap3A_21], %swap3A_24 {strides = array<i32>} : memref<2x3x512x512xf32, #tpu.memory_space<vmem>>, vector<1x3x512x512xf32>,
    %mul3A_25 = arith.constant 2 : i32
    %mul3A_26 = arith.muli %mul3A_25, %arg0 : i32
    %add3A_27 = arith.constant 1 : i32
    %add3A_28 = arith.addi %mul3A_26, %add3A_27 : i32
    %shift_left3A_29 = arith.constant 1 : i32
    %shift_left3A_30 = arith.shli %shift_left3A_29, %add3A_28 : i32
    %and3A_31 = vector.broadcast %shift_left3A_30 : i32 to vector<512x512xi32>
    %and3A_32 = arith.andi %get3A_5, %and3A_31 : vector<512x512xi32>
    %ne3A_33 = arith.constant 0 : i32
    %ne3A_34 = vector.broadcast %ne3A_33 : i32 to vector<512x512xi32>
    %ne3A_35 = arith.cmpi ne, %and3A_32, %ne3A_34 : vector<512x512xi32>
    %broadcast_in_dim3A_36 = vector.shape_cast %ne3A_35 : vector<512x512xi1> to vector<1x512x512xi1>
    %broadcast_in_dim3A_37 = vector.shape_cast %broadcast_in_dim3A_36 : vector<1x512x512xi1> to vector<1x512x512xi1>
    %broadcast_in_dim3A_38 = vector.broadcast %broadcast_in_dim3A_37 : vector<1x512x512xi1> to vector<3x512x512xi1>
    %broadcast_in_dim3A_39 = vector.broadcast %get3A_9 : f32 to vector<3x512x512xf32>
    %select_n3A_40 = arith.select %broadcast_in_dim3A_38, %broadcast_in_dim3A_39, %get3A_2 : vector<3x512x512xi1>, vector<3x512x512xf32>
    %swap3A_41 = arith.constant 1 : index
    %swap3A_42 = arith.constant 0 : index
    %swap3A_43 = arith.constant 0 : index
    %swap3A_44 = arith.constant 0 : index
    %swap3A_45 = vector.load %arg3[%swap3A_41, %swap3A_42, %swap3A_43, %swap3A_44] : memref<2x3x512x512xf32, #tpu.memory_space<vmem>>, vector<1x3x512x512xf32>
    %swap3A_46 = vector.shape_cast %swap3A_45 : vector<1x3x512x512xf32> to vector<3x512x512xf32>
    %swap3A_47 = vector.shape_cast %select_n3A_40 : vector<3x512x512xf32> to vector<1x3x512x512xf32>
    tpu.vector_store %arg3[%swap3A_41, %swap3A_42, %swap3A_43, %swap3A_44], %swap3A_47 {strides = array<i32>} : memref<2x3x512x512xf32, #tpu.memory_space<vmem>>, vector<1x3x512x512xf32>,
    return
  }
  func.func @transform_0(%arg0: i32) -> (i32, i32, i32) {
    %c0_i32 = arith.constant 0 : i32
    %c0_i32_0 = arith.constant 0 : i32
    %c0_i32_1 = arith.constant 0 : i32
    %c0_i32_2 = arith.constant 0 : i32
    return %c0_i32, %c0_i32_0, %c0_i32_1 : i32, i32, i32
  }
  func.func @transform_1(%arg0: i32) -> (i32, i32) {
    %c0_i32 = arith.constant 0 : i32
    %c0_i32_0 = arith.constant 0 : i32
    %c0_i32_1 = arith.constant 0 : i32
    return %c0_i32, %c0_i32_0 : i32, i32
  }
  func.func @transform_2(%arg0: i32) -> (i32, i32, i32, i32) {
    %c0_i32 = arith.constant 0 : i32
    %c0_i32_0 = arith.constant 0 : i32
    %c0_i32_1 = arith.constant 0 : i32
    %c0_i32_2 = arith.constant 0 : i32
    return %arg0, %c0_i32, %c0_i32_0, %c0_i32_1 : i32, i32, i32, i32
  }
}

</mosaic_0001>

<sc_bundles>
// kernel: kernel.4.cloned.1.call-start
scs
__scs_entry_jumppad:
0x0: {  	(pc) =	sbr.rel $0x88, $3  }
0x1: {  	(tag) =	ssettag $0x0;
	lr =	simm.s32 $0x1  }
0x2: {  	[smem:$0x3F9E] =	sst lr;
	_ =	strace $0xD0000000  }
0x3: {  	_ = 	snop  }
0x4: {  	_ = 	snop  }
0x5: {  	_ = 	snop  }
0x6: {  	_ = 	snop  }
0x7: {  	_ = 	snop  }
__scs_overlays_trampoline_lowered:
0x8: {  	[smem:$0x3FAD] =	sst s0  }
0x9: {  	[smem:$0x3FAE] =	sst s1  }
0xa: {  	[smem:$0x3FAF] =	sst s2  }
0xb: {  	[smem:$0x3FB0] =	sst s3  }
0xc: {  	[smem:$0x3FB1] =	sst s4  }
0xd: {  	[smem:$0x3FB2] =	sst s5  }
0xe: {  	[smem:$0x3FB3] =	sst s6  }
0xf: {  	[smem:$0x3FB4] =	sst s7  }
0x10: {  	[smem:$0x3FB5] =	sst s8  }
0x11: {  	[smem:$0x3FB6] =	sst s9;
	s0 =	simm.s32 @!p0 $0x0  }
0x12: {  	s1 =	sld [smem:$0x3F9C];
	s0 =	simm.s32 @p0 $0x1  }
0x13: {  	[smem:$0x3FB7] =	sst s0;
	s0 =	simm.s32 @!p1 $0x0  }
0x14: {  	s2 =	sld [smem:$0x3F9B];
	s0 =	simm.s32 @p1 $0x1  }
0x15: {  	[smem:$0x3FB8] =	sst s0;
	s0 =	simm.s32 @!p2 $0x0  }
0x16: {  	s3 =	sld [smem:$0x3FDB];
	s0 =	simm.s32 @p2 $0x1  }
0x17: {  	s4 =	simm.s32 $0x1BF5;
	[smem:$0x3FBA] =	sst s0  }
0x18: {  	s0 =	sld [smem:$0x3F9D];
	_ =	swait.ge [sflag:s4], $0x0  }
0x19: {  	s7 =	sld [smem:$0x3F9E]  }
0x1a: {  	s8 =	sadd.s32 $0xFFFFE003, lr  }
0x1b: {  	s9 =	sadd.s32 $0xFFFFFEF7, lr;
	s5 =	simm.s32 $0xFFFFFFFF;
	p2 =	slt.u32 s8, $0xFFFFF086  }
0x1c: {  	p1 =	slt.u32 s9, $0xF7A;
	s5 =	simm.s32 @!p2 $0x0  }
0x1d: {  	s5 =	simm.s32 @p1 $0x1;
	p0 =	seq.s32 s7, s2  }
0x1e: {  	s7 =	smul.u32 @!p0 $0xF7A, s2;
	p2 =	seq.s32 @!p0 s5, $0x0  }
0x1f: {  	s9 =	smul.u32 $0xF7A, s1;
	s8 =	simm.s32 @!p0 $0x1BF5;
	p2 =	por !p2, p0  }
0x20: {  	[sflag:s8] =	ssyncset.s32 @!p0 $0xFFFFF086;
	s6 =	sadd.s32 @!p0 s3, s7;
	s7 =	simm.s32 @!p0 $0x108  }
0x21: {  	s3 =	sadd.s32 s3, s9;
	s6 =	sadd.s32 @!p0 $0x88, s6;
	s7 =	simm.s32 @p2 $0x1082  }
0x22: {  	[simem:s7], [sflag:s8] =	dma.local @!p0 [hbm:s6], $0xF7A  }
0x23: {  	s9 =	sor.u32 $0xD0000000, s2;
	s6 =	simm.s32 $0x108;
	_ =	swait.ge @!p0 [sflag:s8], $0x0  }
0x24: {  	s3 =	sadd.s32 $0x88, s3;
	s6 =	simm.s32 @!p1 $0x1082;
	[sflag:s4] =	ssyncset.s32 $0xFFFFF086  }
0x25: {  	[simem:s6], [sflag:s4] =	dma.local [hbm:s3], $0xF7A  }
0x26: {  	[smem:$0x3F9E] =	sst s1;
	(tag) =	ssettag s2;
	_ =	strace s9  }
0x27: {  	s1 =	sld [smem:$0x3FAE]  }
0x28: {  	s2 =	sld [smem:$0x3FAF]  }
0x29: {  	s4 =	sld [smem:$0x3FB1]  }
0x2a: {  	p0 =	seq.s32 s5, $0x0;
	s5 =	sld [smem:$0x3FB2]  }
0x2b: {  	s6 =	sld [smem:$0x3FB3]  }
0x2c: {  	s7 =	sld [smem:$0x3FB4]  }
0x2d: {  	s3 =	simm.s32 $0x108;
	s8 =	sld [smem:$0x3FB5]  }
0x2e: {  	s3 =	simm.s32 @!p0 $0x1082;
	s9 =	sld [smem:$0x3FB6]  }
0x2f: {  	lr =	sadd.s32 s0, s3;
	s0 =	sld [smem:$0x3FAD]  }
0x30: {  	s3 =	sld [smem:$0x3FB0]  }
0x31: {  	[smem:$0x3FB9] =	sst s10  }
0x32: {  	s10 =	sld [smem:$0x3FB7];
	_ =	sdelay $0x3  }
0x33: {  	p0 =	seq.s32 s10, $0x1;
	s10 =	sld [smem:$0x3FB9];
	_ =	sdelay $0x3  }
0x34: {  	[smem:$0x3FB9] =	sst s10  }
0x35: {  	s10 =	sld [smem:$0x3FB8];
	_ =	sdelay $0x3  }
0x36: {  	p1 =	seq.s32 s10, $0x1;
	s10 =	sld [smem:$0x3FB9];
	_ =	sdelay $0x3  }
0x37: {  	[smem:$0x3FB9] =	sst s10  }
0x38: {  	s10 =	sld [smem:$0x3FBA]  }
0x39: {  	_ = 	snop;
	(pc) =	sbr.ind lr, $3  }
0x3a: {  	_ = 	snop  }
0x3b: {  	_ = 	snop  }
0x3c: {  	p2 =	seq.s32 s10, $0x1;
	s10 =	sld [smem:$0x3FB9]  }
0x3d: {  	_ =	shalt  }
0x3e: {  	_ =	shalt  }
0x3f: {  	_ =	shalt  }
0x40: {  	_ =	shalt  }
0x41: {  	_ =	shalt  }
0x42: {  	_ =	shalt  }
0x43: {  	_ =	shalt  }
0x44: {  	_ =	shalt  }
0x45: {  	_ =	shalt  }
0x46: {  	_ =	shalt  }
0x47: {  	_ =	shalt  }
0x48: {  	_ =	shalt  }
0x49: {  	_ =	shalt  }
0x4a: {  	_ =	shalt  }
0x4b: {  	_ =	shalt  }
0x4c: {  	_ =	shalt  }
0x4d: {  	_ =	shalt  }
0x4e: {  	_ =	shalt  }
0x4f: {  	_ =	shalt  }
0x50: {  	_ =	shalt  }
0x51: {  	_ =	shalt  }
0x52: {  	_ =	shalt  }
0x53: {  	_ =	shalt  }
0x54: {  	_ =	shalt  }
0x55: {  	_ =	shalt  }
0x56: {  	_ =	shalt  }
0x57: {  	_ =	shalt  }
0x58: {  	_ =	shalt  }
0x59: {  	_ =	shalt  }
0x5a: {  	_ =	shalt  }
0x5b: {  	_ =	shalt  }
0x5c: {  	_ =	shalt  }
0x5d: {  	_ =	shalt  }
0x5e: {  	_ =	shalt  }
0x5f: {  	_ =	shalt  }
0x60: {  	_ =	shalt  }
0x61: {  	_ =	shalt  }
0x62: {  	_ =	shalt  }
0x63: {  	_ =	shalt  }
0x64: {  	_ =	shalt  }
0x65: {  	_ =	shalt  }
0x66: {  	_ =	shalt  }
0x67: {  	_ =	shalt  }
0x68: {  	_ =	shalt  }
0x69: {  	_ =	shalt  }
0x6a: {  	_ =	shalt  }
0x6b: {  	_ =	shalt  }
0x6c: {  	_ =	shalt  }
0x6d: {  	_ =	shalt  }
0x6e: {  	_ =	shalt  }
0x6f: {  	_ =	shalt  }
0x70: {  	_ =	shalt  }
0x71: {  	_ =	shalt  }
0x72: {  	_ =	shalt  }
0x73: {  	_ =	shalt  }
0x74: {  	_ =	shalt  }
0x75: {  	_ =	shalt  }
0x76: {  	_ =	shalt  }
0x77: {  	_ =	shalt  }
0x78: {  	_ =	shalt  }
0x79: {  	_ =	shalt  }
0x7a: {  	_ =	shalt  }
0x7b: {  	_ =	shalt  }
0x7c: {  	_ =	shalt  }
0x7d: {  	_ =	shalt  }
0x7e: {  	_ =	shalt  }
0x7f: {  	_ =	shalt  }
0x80: {  	_ =	shalt  }
0x81: {  	_ =	shalt  }
0x82: {  	_ =	shalt  }
0x83: {  	_ =	shalt  }
0x84: {  	_ =	shalt  }
0x85: {  	_ =	shalt  }
0x86: {  	_ =	shalt  }
0x87: {  	_ =	shalt  }
.Lfunc_end0:
.L_simem_size_0:
called_computation_lowered:
.L_overlay_start_0:
0x88: {  	s2 =	sld [smem:$0x3FD9]  }
0x89: {  	s3 =	sld [smem:$0x3FFE];
	_ =	sdelay $0x1  }
0x8a: {  	s1 =	srdreg.scid  }
0x8b: {  	s0 =	sand.u32 $0x1, s1  }
0x8c: {  	s17 =	sshll.u32 s0, $0xA;
	s2 =	sadd.s32 s3, s2  }
0x8d: {  	s2 =	sadd.s32 s2, s17  }
0x8e: {  	[smem:$0x3FC5] =	sst s2  }
0x8f: {  	_ = 	snop  }
0x90: {  	s2 =	sld [smem:$0x3FC8]  }
0x91: {  	s18 =	sld [smem:$0x3FD0];
	(tm) =	ssettm $0x1  }
0x92: {  	s4 =	sld [smem:$0x3FFB];
	_ =	sdelay $0x3  }
0x93: {  	_ =	strace s4  }
0x94: {  	s4 =	sld [smem:$0x3FFC];
	_ =	sdelay $0x3  }
0x95: {  	_ =	strace s4  }
0x96: {  	s4 =	sld [smem:$0x3FFD];
	_ =	sdelay $0x3  }
0x97: {  	_ =	strace s4  }
0x98: {  	_ =	strace $0x8FFFFFFF  }
0x99: {  	s19 =	sld [smem:$0x3FDB];
	_ =	sdelay $0x1  }
0x9a: {  	s5 =	simm.s32 $_scs_section_size  }
0x9b: {  	s6 =	simm.s32 $_size__tile_overlayer_lowered;
	s7 =	simm.s32 $_tile_overlayer_lowered  }
0x9c: {  	s22 =	simm.s32 $0x1BFF;
	s21 =	sshll.u32 s7, $0x1;
	s4 =	sadd.s32 s5, s19  }
0x9d: {  	s8 =	simm.s32 $0x0;
	s20 =	sshll.u32 s6, $0x1;
	s6 =	sadd.s32 s21, s4  }
0x9e: {  	[timem:s8], [sflag:s22] =	dma.local [hbm:s6], s20  }
0x9f: {  	_ =	swait.ge [sflag:s22], s20  }
0xa0: {  	s5 =	ssub.s32 $0x0, s20;
	[sflag:s22] =	ssyncset.done $0x0  }
0xa1: {  	[sflag:s22] =	ssyncadd.s32 s5;
	_ =	sdelay $0x1  }
0xa2: {  	s23 =	simm.s32 $0x1B8B  }
0xa3: {  	_ =	swait.ge [sflag:s23], $0x1  }
0xa4: {  	[sflag:s23] =	ssyncset.done $0x0  }
0xa5: {  	s25 =	simm.s32 $0x1B8E;
	s24 =	sld [smem:$0x3FFE];
	[sflag:s23] =	ssyncadd.s32 $0xFFFFFFFF  }
0xa6: {  	s26 =	simm.s32 $execute0_lowered;
	[smem:$0x3FD2] =	sst s25  }
0xa7: {  	s6 =	sshll.u32 s26, $0x1;
	_ =	strace $0x80000046;
	[dreg:$0x1] =	wrdreg $0xFFFFFFFF  }
0xa8: {  	s28 =	simm.s32 $_size_execute0_lowered;
	s4 =	sadd.s32 s4, s6;
	[dreg:$0x0] =	wrdreg $0x0  }
0xa9: {  	s6 =	sshll.u32 s28, $0x1;
	[dreg:$0x2] =	wrdreg s4  }
0xaa: {  	[dreg:$0x3] =	wrdreg s6  }
0xab: {  	[dreg:$0x4] =	wrdreg $0xC0  }
0xac: {  	_ =	task [dreg:s8], $0x5FFFF  }
0xad: {  	[dreg:$0x1] =	wrdreg $0xFFFFFFFF  }
0xae: {  	[dreg:$0x0] =	wrdreg $0x60  }
0xaf: {  	[dreg:$0x2] =	wrdreg s2  }
0xb0: {  	[dreg:$0x3] =	wrdreg s24  }
0xb1: {  	[dreg:$0x4] =	wrdreg s18  }
0xb2: {  	[dreg:$0x5] =	wrdreg $0x9  }
0xb3: {  	_ =	task.clear_ibuf [dreg:s8], $0x6FFFF;
	_ =	strace $0x90000046  }
0xb4: {  	s29 =	simm.s32 $0x9;
	_ =	strace $0x80000048  }
0xb5: {  	_ =	swait.ge [sflag:s29], $0x1  }
0xb6: {  	[sflag:s29] =	ssyncadd.s32 $0xFFFFFFFF  }
0xb7: {  	_ =	strace $0x90000048  }
0xb8: {  	_ =	sfence  }
0xb9: {  	s30 =	sld [smem:$0x0];
	_ =	sdelay $0x2  }
0xba: {  	s31 =	sshll.u32 s1, $0xD;
	s1 =	sshrl.u32 s1, $0x2  }
0xbb: {  	s3 =	sand.u32 $0x4000, s31;
	s1 =	sadd.s32 s1, s30  }
0xbc: {  	s0 =	sor.u32 s3, s0;
	s1 =	sshll.u32 s1, $0x11  }
0xbd: {  	s0 =	sor.u32 s1, s0  }
0xbe: {  	s0 =	sadd.s32 $0x8F2B, s0  }
0xbf: {  	[sflag:s0] =	ssyncadd.remote.s32 $0x1  }
0xc0: {  	_ =	sfence.sel $0xFFFF  }
0xc1: {  	[dreg:$0x0] =	wrdreg $0xFFFFFFFF;
	(pc) =	sbr.abs _section_cstart, $3  }
0xc2: {  	[dreg:$0x1] =	wrdreg $0xFFFFFFFF  }
0xc3: {  	_ =	task.clear_ibuf [dreg:s8], $0x2FFFF;
	_ =	strace $0x9FFFFFFF  }
0xc4: {  	(tm) =	ssettm $0x7FFFFFFF  }
0xc5: {  	_ =	shalt  }
tec
execute0_lowered:
.L_overlay_start_1:
0x0: {  	(tag) =	ssettag $0x1  }
0x1: {  	s4 =	rddreg [dreg:$0x0]  }
0x2: {  	s3 =	rddreg [dreg:$0x1]  }
0x3: {  	s5 =	rddreg [dreg:$0x2]  }
0x4: {  	s0 =	rddreg [dreg:$0x3];
	s1 =	simm.s32 $0x0  }
0x5: {  	s2 =	srdreg.scid;
	s10 =	simm.s32 $0xE00;
	s11 =	simm.s32 $0x2E80  }
0x6: {  	s12 =	simm.s32 $0x0;
	[smem:$0x7FF] =	sst s1;
	s6 =	sand.u32 $0x1, s2  }
0x7: {  	s2 =	stileid.u32;
	s3 =	sadd.s32 $0x800, s3;
	_ =	strace $0x80000047  }
0x8: {  	s7 =	ssub.s32 $0x2, s6;
	s9 =	sshll.u32 s2, $0xB;
	s6 =	sshll.u32 s6, $0xA  }
0x9: {  	s8 =	sshrl.u32 s7, $0x1;
	s6 =	sor.u32 s6, s9;
	s9 =	simm.s32 $0x1  }
0xa: {  	s7 =	ssub.s32 s7, s8;
	s4 =	sadd.s32 s4, s6;
	s5 =	sadd.s32 s5, s6  }
0xb: {  	s8 =	simm.s32 $0x2;
	s6 =	smax.u32 s7, $0x1;
	s7 =	simm.s32 $0xE80  }
.LBB2_1:
0xc: {  	[tilespmem:s7], [sflag:$0x1] =	stream.linear.gather [hbm4b:s4+s1], $0x2000, $0x38;
	[tilespmem:$0x4E80] =	vst v63  }
0xd: {  	_ = 	snop  }
0xe: {  	[tilespmem:s1], [sflag:$0x2] =	stream.linear.gather [hbm4b:s3+s1], $0xE00, $0x38;
	[tilespmem:$0x4E80] =	vst v63  }
0xf: {  	_ =	swait.ge [sflag:s8], $0xE00  }
0x10: {  	[sflag:s8] =	ssyncset.done $0x0  }
0x11: {  	[sflag:s8] =	ssyncadd.s32 $0xFFFFF200  }
0x12: {  	v0 =	vld [tilespmem:$0xD90];
	_ =	sdelay $0x4  }
0x13: {  	[tilespmem:$0x1FE60] =	vst v0;
	v0 =	vld [tilespmem:$0xA20];
	_ =	sdelay $0x4  }
0x14: {  	[tilespmem:$0x1FE70] =	vst v0;
	v0 =	vld [tilespmem:$0xA90];
	_ =	sdelay $0x4  }
0x15: {  	[tilespmem:$0x1FE80] =	vst v0;
	v0 =	vld [tilespmem:$0xB00];
	_ =	sdelay $0x4  }
0x16: {  	[tilespmem:$0x1FEA0] =	vst v0;
	v0 =	vld [tilespmem:$0xB70];
	_ =	sdelay $0x4  }
0x17: {  	[tilespmem:$0x1FED0] =	vst v0;
	v0 =	vld [tilespmem:$0xBE0];
	_ =	sdelay $0x4  }
0x18: {  	[tilespmem:$0x1FEF0] =	vst v0;
	v0 =	vld [tilespmem:$0xC50];
	_ =	sdelay $0x4  }
0x19: {  	[tilespmem:$0x1FF00] =	vst v0;
	v0 =	vld [tilespmem:$0xCC0];
	_ =	sdelay $0x4  }
0x1a: {  	[tilespmem:$0x1FF10] =	vst v0;
	v0 =	vld [tilespmem:$0xD30];
	_ =	sdelay $0x4  }
0x1b: {  	[tilespmem:$0x1FF20] =	vst v0;
	v0 =	vld [tilespmem:$0xDA0];
	_ =	sdelay $0x4  }
0x1c: {  	[tilespmem:$0x1FF40] =	vst v0;
	v0 =	vld [tilespmem:$0x410];
	_ =	sdelay $0x4  }
0x1d: {  	[tilespmem:$0x1FE90] =	vst v0;
	v0 =	vld [tilespmem:$0x480]  }
0x1e: {  	v8 =	vld [tilespmem:$0x0]  }
0x1f: {  	v10 =	vld [tilespmem:$0x70]  }
0x20: {  	v12 =	vld [tilespmem:$0xE0]  }
0x21: {  	v15 =	vld [tilespmem:$0x150]  }
0x22: {  	[tilespmem:$0x1FEB0] =	vst v0;
	v0 =	vld [tilespmem:$0x4F0]  }
0x23: {  	v18 =	vld [tilespmem:$0x1C0]  }
0x24: {  	v20 =	vld [tilespmem:$0x230]  }
0x25: {  	v21 =	vld [tilespmem:$0x2A0]  }
0x26: {  	v22 =	vld [tilespmem:$0x310]  }
0x27: {  	[tilespmem:$0x1FEC0] =	vst v0;
	v0 =	vld [tilespmem:$0x560]  }
0x28: {  	v41 =	vld [tilespmem:$0x380]  }
0x29: {  	v44 =	vld [tilespmem:$0x3F0]  }
0x2a: {  	v45 =	vld [tilespmem:$0x460]  }
0x2b: {  	v46 =	vld [tilespmem:$0x4D0]  }
0x2c: {  	v47 =	vld [tilespmem:$0x540];
	[tilespmem:$0x1FEE0] =	vst v0;
	v0 =	vshll.u32 v10, $0x1  }
0x2d: {  	v48 =	vld [tilespmem:$0x5B0];
	v12 =	vshll.u32 v12, $0x2;
	v0 =	vor.u32 v8, v0  }
0x2e: {  	v50 =	vld [tilespmem:$0x620];
	v15 =	vshll.u32 v15, $0x3;
	v0 =	vor.u32 v12, v0  }
0x2f: {  	v63 =	vld [tilespmem:$0x690];
	v18 =	vshll.u32 v18, $0x4;
	v0 =	vor.u32 v15, v0  }
0x30: {  	v1 =	vld [tilespmem:$0x700];
	v20 =	vshll.u32 v20, $0x5;
	v0 =	vor.u32 v18, v0  }
0x31: {  	v3 =	vld [tilespmem:$0x770];
	v21 =	vshll.u32 v21, $0x6;
	v0 =	vor.u32 v20, v0  }
0x32: {  	v4 =	vld [tilespmem:$0x7E0];
	v22 =	vshll.u32 v22, $0x7;
	v0 =	vor.u32 v21, v0  }
0x33: {  	v7 =	vld [tilespmem:$0x850];
	v41 =	vshll.u32 v41, $0x8;
	v0 =	vor.u32 v22, v0  }
0x34: {  	v11 =	vld [tilespmem:$0x8C0];
	v0 =	vor.u32 v41, v0;
	v41 =	vshll.u32 v44, $0x9  }
0x35: {  	v14 =	vld [tilespmem:$0x930];
	v0 =	vor.u32 v41, v0;
	v41 =	vshll.u32 v45, $0xA  }
0x36: {  	v17 =	vld [tilespmem:$0x9A0];
	v0 =	vor.u32 v41, v0;
	v41 =	vshll.u32 v46, $0xB  }
0x37: {  	v25 =	vld [tilespmem:$0xA10];
	v0 =	vor.u32 v41, v0;
	v41 =	vshll.u32 v47, $0xC  }
0x38: {  	v0 =	vor.u32 v41, v0;
	v41 =	vshll.u32 v48, $0xD;
	v48 =	vld [tilespmem:$0xB10]  }
0x39: {  	v49 =	vld [tilespmem:$0xA80]  }
0x3a: {  	v51 =	vld [tilespmem:$0xAF0]  }
0x3b: {  	v53 =	vld [tilespmem:$0xB60]  }
0x3c: {  	v55 =	vld [tilespmem:$0xBD0]  }
0x3d: {  	v57 =	vld [tilespmem:$0xC40];
	v0 =	vor.u32 v41, v0;
	[tilespmem:$0x1FF80] =	vst v48;
	v48 =	vshll.u32 v50, $0xE  }
0x3e: {  	v59 =	vld [tilespmem:$0xCB0];
	v63 =	vshll.u32 v63, $0xF;
	v0 =	vor.u32 v48, v0  }
0x3f: {  	v61 =	vld [tilespmem:$0xD20];
	v1 =	vshll.u32 v1, $0x10;
	v0 =	vor.u32 v63, v0  }
0x40: {  	v0 =	vor.u32 v1, v0;
	v1 =	vshll.u32 v3, $0x11;
	v3 =	vld [tilespmem:$0xCD0]  }
0x41: {  	v6 =	vld [tilespmem:$0x10]  }
0x42: {  	v2 =	vld [tilespmem:$0x80]  }
0x43: {  	v5 =	vld [tilespmem:$0xF0]  }
0x44: {  	v9 =	vld [tilespmem:$0x160]  }
0x45: {  	[tilespmem:$0x1FFC0] =	vst v3;
	v3 =	vld [tilespmem:$0xD40]  }
0x46: {  	v13 =	vld [tilespmem:$0x1D0]  }
0x47: {  	v16 =	vld [tilespmem:$0x240]  }
0x48: {  	v19 =	vld [tilespmem:$0x2B0]  }
0x49: {  	v23 =	vld [tilespmem:$0x320]  }
0x4a: {  	v0 =	vor.u32 v1, v0;
	v1 =	vshll.u32 v4, $0x12;
	[tilespmem:$0x1FFD0] =	vst v3;
	v3 =	vld [tilespmem:$0xDB0]  }
0x4b: {  	v24 =	vld [tilespmem:$0x390];
	v0 =	vor.u32 v1, v0;
	v1 =	vshll.u32 v7, $0x13  }
0x4c: {  	v52 =	vld [tilespmem:$0x400];
	v0 =	vor.u32 v1, v0;
	v1 =	vshll.u32 v11, $0x14  }
0x4d: {  	v26 =	vld [tilespmem:$0x470];
	v0 =	vor.u32 v1, v0;
	v1 =	vshll.u32 v14, $0x15  }
0x4e: {  	v54 =	vld [tilespmem:$0x4E0];
	v0 =	vor.u32 v1, v0;
	v1 =	vshll.u32 v2, $0x1  }
0x4f: {  	v27 =	vld [tilespmem:$0x550];
	v2 =	vshll.u32 v17, $0x16;
	v1 =	vor.u32 v6, v1;
	[tilespmem:$0x1FFE0] =	vst v3;
	v3 =	vshll.u32 v5, $0x2  }
0x50: {  	v56 =	vld [tilespmem:$0x5C0];
	v0 =	vor.u32 v2, v0;
	v2 =	vshll.u32 v9, $0x3;
	v1 =	vor.u32 v3, v1  }
0x51: {  	v28 =	vld [tilespmem:$0x630];
	v3 =	vshll.u32 v13, $0x4;
	v1 =	vor.u32 v2, v1;
	v2 =	vshll.u32 v25, $0x17  }
0x52: {  	v58 =	vld [tilespmem:$0x6A0];
	v0 =	vor.u32 v2, v0;
	v1 =	vor.u32 v3, v1;
	v2 =	vshll.u32 v16, $0x5  }
0x53: {  	v43 =	vld [tilespmem:$0x710];
	v3 =	vshll.u32 v19, $0x6;
	v1 =	vor.u32 v2, v1;
	v2 =	vshll.u32 v49, $0x18  }
0x54: {  	v60 =	vld [tilespmem:$0x780];
	v0 =	vor.u32 v2, v0;
	v1 =	vor.u32 v3, v1;
	v2 =	vshll.u32 v23, $0x7  }
0x55: {  	v39 =	vld [tilespmem:$0x7F0];
	v3 =	vshll.u32 v24, $0x8;
	v1 =	vor.u32 v2, v1;
	v2 =	vshll.u32 v51, $0x19  }
0x56: {  	v32 =	vld [tilespmem:$0x860];
	v0 =	vor.u32 v2, v0;
	v1 =	vor.u32 v3, v1;
	v2 =	vshll.u32 v52, $0x9  }
0x57: {  	v37 =	vld [tilespmem:$0x8D0];
	v3 =	vshll.u32 v26, $0xA;
	v1 =	vor.u32 v2, v1;
	v2 =	vshll.u32 v53, $0x1A  }
0x58: {  	v36 =	vld [tilespmem:$0x940];
	v0 =	vor.u32 v2, v0;
	v1 =	vor.u32 v3, v1;
	v2 =	vshll.u32 v54, $0xB  }
0x59: {  	v38 =	vld [tilespmem:$0x9B0];
	v3 =	vshll.u32 v27, $0xC;
	v1 =	vor.u32 v2, v1;
	v2 =	vshll.u32 v55, $0x1B  }
0x5a: {  	v30 =	vld [tilespmem:$0x20];
	v0 =	vor.u32 v2, v0;
	v1 =	vor.u32 v3, v1;
	v2 =	vshll.u32 v56, $0xD  }
0x5b: {  	v29 =	vld [tilespmem:$0x90];
	v3 =	vshll.u32 v28, $0xE;
	v1 =	vor.u32 v2, v1;
	v2 =	vshll.u32 v57, $0x1C  }
0x5c: {  	v31 =	vld [tilespmem:$0x100];
	v0 =	vor.u32 v2, v0;
	v1 =	vor.u32 v3, v1;
	v2 =	vshll.u32 v58, $0xF  }
0x5d: {  	v33 =	vld [tilespmem:$0x170];
	v3 =	vshll.u32 v43, $0x10;
	v1 =	vor.u32 v2, v1;
	v2 =	vshll.u32 v59, $0x1D  }
0x5e: {  	v34 =	vld [tilespmem:$0x1E0];
	v0 =	vor.u32 v2, v0;
	v1 =	vor.u32 v3, v1;
	v2 =	vshll.u32 v60, $0x11  }
0x5f: {  	v35 =	vld [tilespmem:$0x250];
	v3 =	vshll.u32 v39, $0x12;
	v1 =	vor.u32 v2, v1  }
0x60: {  	v62 =	vld [tilespmem:$0x2C0];
	v1 =	vor.u32 v3, v1;
	v3 =	vshll.u32 v32, $0x13  }
0x61: {  	v1 =	vor.u32 v3, v1;
	v3 =	vld [tilespmem:$0x1FE60]  }
0x62: {  	v42 =	vld [tilespmem:$0x330]  }
0x63: {  	v40 =	vld [tilespmem:$0x3A0]  }
0x64: {  	v10 =	vld [tilespmem:$0x5D0]  }
0x65: {  	v8 =	vld [tilespmem:$0x640];
	v2 =	vshll.u32 v61, $0x1E  }
0x66: {  	v12 =	vld [tilespmem:$0x6B0];
	v2 =	vor.u32 v2, v0;
	v3 =	vshll.u32 v3, $0x1F  }
0x67: {  	v15 =	vld [tilespmem:$0x720];
	v4 =	vshll.u32 v37, $0x14;
	v2 =	vor.u32 v3, v2  }
0x68: {  	v18 =	vld [tilespmem:$0x790];
	v1 =	vor.u32 v4, v1;
	[tilespmem:$0x1FFF0] =	vst v2;
	v2 =	vshll.u32 v29, $0x1  }
0x69: {  	v20 =	vld [tilespmem:$0x800];
	v4 =	vshll.u32 v31, $0x2;
	v3 =	vshll.u32 v36, $0x15;
	v2 =	vor.u32 v30, v2  }
0x6a: {  	v21 =	vld [tilespmem:$0x870];
	v1 =	vor.u32 v3, v1;
	v3 =	vshll.u32 v33, $0x3;
	v2 =	vor.u32 v4, v2  }
0x6b: {  	v44 =	vld [tilespmem:$0x950];
	v5 =	vshll.u32 v34, $0x4;
	v4 =	vshll.u32 v38, $0x16;
	v2 =	vor.u32 v3, v2  }
0x6c: {  	v22 =	vld [tilespmem:$0x8E0];
	v1 =	vor.u32 v4, v1;
	v4 =	vshll.u32 v35, $0x5;
	v2 =	vor.u32 v5, v2  }
0x6d: {  	v2 =	vor.u32 v4, v2;
	v4 =	vld [tilespmem:$0x1FE70]  }
0x6e: {  	v45 =	vld [tilespmem:$0x180]  }
0x6f: {  	v46 =	vld [tilespmem:$0x1F0]  }
0x70: {  	[tilespmem:$0x1FF30] =	vst v44;
	v44 =	vld [tilespmem:$0x9C0]  }
0x71: {  	v47 =	vld [tilespmem:$0x260]  }
0x72: {  	v41 =	vld [tilespmem:$0x30];
	v5 =	vshll.u32 v62, $0x6;
	v4 =	vshll.u32 v4, $0x17  }
0x73: {  	v50 =	vld [tilespmem:$0xB80];
	v2 =	vor.u32 v5, v2;
	v1 =	vor.u32 v4, v1;
	v4 =	vshll.u32 v42, $0x7  }
0x74: {  	v2 =	vor.u32 v4, v2;
	v4 =	vld [tilespmem:$0x1FE80]  }
0x75: {  	[tilespmem:$0x1FF50] =	vst v44;
	v44 =	vld [tilespmem:$0xA30]  }
0x76: {  	v48 =	vld [tilespmem:$0xBF0]  }
0x77: {  	v63 =	vld [tilespmem:$0xA0]  }
0x78: {  	v37 =	vld [tilespmem:$0xA40]  }
0x79: {  	[tilespmem:$0x1FF90] =	vst v50;
	v50 =	vld [tilespmem:$0xC60];
	v4 =	vshll.u32 v4, $0x18  }
0x7a: {  	v1 =	vor.u32 v4, v1;
	v4 =	vld [tilespmem:$0x1FE90]  }
0x7b: {  	v7 =	vld [tilespmem:$0xC10]  }
0x7c: {  	[tilespmem:$0x1FF60] =	vst v44;
	v44 =	vld [tilespmem:$0xAA0];
	v5 =	vshll.u32 v40, $0x8  }
0x7d: {  	v2 =	vor.u32 v5, v2;
	v5 =	vld [tilespmem:$0x1FEA0]  }
0x7e: {  	[tilespmem:$0x1FFA0] =	vst v48;
	v48 =	vld [tilespmem:$0x2D0]  }
0x7f: {  	v11 =	vld [tilespmem:$0xDC0];
	v4 =	vshll.u32 v4, $0x9  }
0x80: {  	v2 =	vor.u32 v4, v2;
	v4 =	vld [tilespmem:$0x1FEB0]  }
0x81: {  	v14 =	vld [tilespmem:$0xD50]  }
0x82: {  	[tilespmem:$0x1FF70] =	vst v44;
	v44 =	vld [tilespmem:$0x110];
	v5 =	vshll.u32 v5, $0x19  }
0x83: {  	v1 =	vor.u32 v5, v1;
	v5 =	vld [tilespmem:$0x1FED0]  }
0x84: {  	v17 =	vld [tilespmem:$0xB0]  }
0x85: {  	v9 =	vld [tilespmem:$0xAB0];
	v4 =	vshll.u32 v4, $0xA  }
0x86: {  	v2 =	vor.u32 v4, v2;
	v4 =	vld [tilespmem:$0x1FEC0]  }
0x87: {  	[tilespmem:$0x1FFB0] =	vst v50;
	v50 =	vld [tilespmem:$0x3B0]  }
0x88: {  	v6 =	vshll.u32 v44, $0x2;
	v44 =	vld [tilespmem:$0xB30];
	v5 =	vshll.u32 v5, $0x1A  }
0x89: {  	v1 =	vor.u32 v5, v1;
	v5 =	vld [tilespmem:$0x1FEF0]  }
0x8a: {  	v34 =	vld [tilespmem:$0x890]  }
0x8b: {  	v13 =	vld [tilespmem:$0x40];
	v4 =	vshll.u32 v4, $0xB  }
0x8c: {  	v2 =	vor.u32 v4, v2;
	v4 =	vld [tilespmem:$0x1FEE0]  }
0x8d: {  	v25 =	vld [tilespmem:$0x510]  }
0x8e: {  	v16 =	vld [tilespmem:$0xCE0];
	v5 =	vshll.u32 v5, $0x1B  }
0x8f: {  	v1 =	vor.u32 v5, v1;
	v5 =	vld [tilespmem:$0x1FF00]  }
0x90: {  	v19 =	vld [tilespmem:$0x190]  }
0x91: {  	v49 =	vld [tilespmem:$0x340];
	v4 =	vshll.u32 v4, $0xC  }
0x92: {  	v23 =	vld [tilespmem:$0xC00];
	v2 =	vor.u32 v4, v2;
	v4 =	vshll.u32 v10, $0xD  }
0x93: {  	v17 =	vshll.u32 v17, $0x1;
	v24 =	vld [tilespmem:$0x4A0];
	v2 =	vor.u32 v4, v2;
	v4 =	vshll.u32 v8, $0xE  }
0x94: {  	v51 =	vld [tilespmem:$0x420];
	v5 =	vshll.u32 v5, $0x1C;
	v2 =	vor.u32 v4, v2;
	v4 =	vshll.u32 v12, $0xF  }
0x95: {  	v1 =	vor.u32 v5, v1;
	v5 =	vld [tilespmem:$0x1FF10];
	v2 =	vor.u32 v4, v2;
	v4 =	vshll.u32 v15, $0x10  }
0x96: {  	v13 =	vor.u32 v13, v17;
	v17 =	vld [tilespmem:$0x50];
	v2 =	vor.u32 v4, v2;
	v4 =	vshll.u32 v18, $0x11  }
0x97: {  	v52 =	vld [tilespmem:$0x490];
	v2 =	vor.u32 v4, v2;
	v4 =	vshll.u32 v20, $0x12  }
0x98: {  	v26 =	vld [tilespmem:$0x580];
	v2 =	vor.u32 v4, v2;
	v4 =	vshll.u32 v21, $0x13  }
0x99: {  	v53 =	vld [tilespmem:$0x500];
	v2 =	vor.u32 v4, v2;
	v4 =	vshll.u32 v22, $0x14  }
0x9a: {  	v5 =	vshll.u32 v5, $0x1D;
	v2 =	vor.u32 v4, v2;
	v4 =	vld [tilespmem:$0x1FF30]  }
0x9b: {  	v1 =	vor.u32 v5, v1;
	v5 =	vld [tilespmem:$0x1FF20]  }
0x9c: {  	v54 =	vld [tilespmem:$0x570]  }
0x9d: {  	v27 =	vld [tilespmem:$0x5F0]  }
0x9e: {  	v55 =	vld [tilespmem:$0x5E0]  }
0x9f: {  	v56 =	vld [tilespmem:$0x650];
	v4 =	vshll.u32 v4, $0x15  }
0xa0: {  	v5 =	vshll.u32 v5, $0x1E;
	v2 =	vor.u32 v4, v2;
	v4 =	vld [tilespmem:$0x1FF50]  }
0xa1: {  	v1 =	vor.u32 v5, v1;
	v5 =	vld [tilespmem:$0x1FF40]  }
0xa2: {  	v28 =	vld [tilespmem:$0xB90]  }
0xa3: {  	v57 =	vld [tilespmem:$0x6C0]  }
0xa4: {  	v58 =	vld [tilespmem:$0x730]  }
0xa5: {  	v43 =	vld [tilespmem:$0x960];
	v4 =	vshll.u32 v4, $0x16  }
0xa6: {  	v59 =	vld [tilespmem:$0x7A0];
	v5 =	vshll.u32 v5, $0x1F;
	v2 =	vor.u32 v4, v2;
	v4 =	vshll.u32 v63, $0x1  }
0xa7: {  	v1 =	vor.u32 v5, v1;
	v5 =	vld [tilespmem:$0x1FF60];
	v4 =	vor.u32 v41, v4  }
0xa8: {  	v4 =	vor.u32 v6, v4;
	v6 =	vld [tilespmem:$0x1FF70]  }
0xa9: {  	v60 =	vld [tilespmem:$0x810]  }
0xaa: {  	v39 =	vld [tilespmem:$0x9D0]  }
0xab: {  	v61 =	vld [tilespmem:$0x880]  }
0xac: {  	v0 =	vld [tilespmem:$0x8F0];
	v5 =	vshll.u32 v5, $0x17  }
0xad: {  	v32 =	vld [tilespmem:$0x7B0];
	v2 =	vor.u32 v5, v2;
	v6 =	vshll.u32 v6, $0x18  }
0xae: {  	v2 =	vor.u32 v6, v2;
	v6 =	vld [tilespmem:$0x1FF80]  }
0xaf: {  	v31 =	vld [tilespmem:$0x740]  }
0xb0: {  	v36 =	vld [tilespmem:$0x970]  }
0xb1: {  	v29 =	vld [tilespmem:$0x660]  }
0xb2: {  	v33 =	vld [tilespmem:$0x820]  }
0xb3: {  	v30 =	vld [tilespmem:$0x6D0];
	v6 =	vshll.u32 v6, $0x19  }
0xb4: {  	v2 =	vor.u32 v6, v2;
	v6 =	vld [tilespmem:$0x1FF90]  }
0xb5: {  	v38 =	vld [tilespmem:$0x9E0]  }
0xb6: {  	v3 =	vld [tilespmem:$0xB20]  }
0xb7: {  	v35 =	vld [tilespmem:$0x900]  }
0xb8: {  	v10 =	vld [tilespmem:$0x120]  }
0xb9: {  	v40 =	vld [tilespmem:$0xA50];
	v6 =	vshll.u32 v6, $0x1A  }
0xba: {  	v2 =	vor.u32 v6, v2;
	v6 =	vld [tilespmem:$0x1FFA0]  }
0xbb: {  	v42 =	vld [tilespmem:$0xC70]  }
0xbc: {  	v8 =	vld [tilespmem:$0xBA0]  }
0xbd: {  	v37 =	vshll.u32 v37, $0x17;
	v12 =	vld [tilespmem:$0x200];
	v10 =	vshll.u32 v10, $0x2  }
0xbe: {  	v7 =	vshll.u32 v7, $0x1B;
	v11 =	vshll.u32 v11, $0x1F;
	v10 =	vor.u32 v10, v13;
	v13 =	vld [tilespmem:$0x130]  }
0xbf: {  	v14 =	vshll.u32 v14, $0x1E;
	v9 =	vshll.u32 v9, $0x18;
	v15 =	vld [tilespmem:$0x270];
	v6 =	vshll.u32 v6, $0x1B  }
0xc0: {  	v16 =	vshll.u32 v16, $0x1D;
	v23 =	vshll.u32 v23, $0x1B;
	v2 =	vor.u32 v6, v2;
	v6 =	vld [tilespmem:$0x1FFB0]  }
0xc1: {  	v43 =	vshll.u32 v43, $0x15;
	v60 =	vshll.u32 v60, $0x12;
	v39 =	vshll.u32 v39, $0x16;
	v18 =	vld [tilespmem:$0x2E0]  }
0xc2: {  	v3 =	vshll.u32 v3, $0x19;
	v20 =	vld [tilespmem:$0x350];
	v8 =	vshll.u32 v8, $0x1A;
	v12 =	vshll.u32 v12, $0x4  }
0xc3: {  	v21 =	vld [tilespmem:$0x3C0];
	v13 =	vshll.u32 v13, $0x2;
	v63 =	vshll.u32 v61, $0x13;
	v5 =	vshll.u32 v45, $0x3  }
0xc4: {  	v22 =	vld [tilespmem:$0x430];
	v61 =	vshll.u32 v29, $0xE;
	v4 =	vor.u32 v5, v4;
	v5 =	vshll.u32 v46, $0x4  }
0xc5: {  	v29 =	vld [tilespmem:$0x840];
	v4 =	vor.u32 v5, v4;
	v5 =	vshll.u32 v47, $0x5;
	v6 =	vshll.u32 v6, $0x1C  }
0xc6: {  	v4 =	vor.u32 v5, v4;
	v5 =	vshll.u32 v48, $0x6;
	v2 =	vor.u32 v6, v2;
	v6 =	vld [tilespmem:$0x1FFC0]  }
0xc7: {  	v41 =	vld [tilespmem:$0xAC0];
	v46 =	vshll.u32 v34, $0x13;
	v4 =	vor.u32 v5, v4;
	v5 =	vshll.u32 v49, $0x7  }
0xc8: {  	v47 =	vld [tilespmem:$0x7C0];
	v48 =	vshll.u32 v0, $0x14;
	v49 =	vshll.u32 v19, $0x3;
	v4 =	vor.u32 v5, v4  }
0xc9: {  	v0 =	vld [tilespmem:$0xDD0];
	v5 =	vshll.u32 v50, $0x8;
	v10 =	vor.u32 v49, v10;
	v50 =	vshll.u32 v15, $0x5  }
0xca: {  	v19 =	vld [tilespmem:$0xC0];
	v49 =	vshll.u32 v36, $0x15;
	v4 =	vor.u32 v5, v4;
	v5 =	vshll.u32 v51, $0x9  }
0xcb: {  	v15 =	vld [tilespmem:$0x1A0];
	v10 =	vor.u32 v12, v10;
	v51 =	vshll.u32 v18, $0x6;
	v6 =	vshll.u32 v6, $0x1D  }
0xcc: {  	v4 =	vor.u32 v5, v4;
	v5 =	vshll.u32 v52, $0xA;
	v2 =	vor.u32 v6, v2;
	v6 =	vld [tilespmem:$0x1FFD0]  }
0xcd: {  	v18 =	vld [tilespmem:$0x210];
	v10 =	vor.u32 v50, v10;
	v52 =	vshll.u32 v20, $0x7;
	v4 =	vor.u32 v5, v4  }
0xce: {  	v12 =	vld [tilespmem:$0x4B0];
	v5 =	vshll.u32 v53, $0xB;
	v10 =	vor.u32 v51, v10;
	v53 =	vshll.u32 v21, $0x8  }
0xcf: {  	v20 =	vld [tilespmem:$0x280];
	v4 =	vor.u32 v5, v4;
	v5 =	vshll.u32 v54, $0xC;
	v10 =	vor.u32 v52, v10  }
0xd0: {  	v21 =	vld [tilespmem:$0x2F0];
	v54 =	vshll.u32 v22, $0x9;
	v4 =	vor.u32 v5, v4;
	v5 =	vshll.u32 v55, $0xD  }
0xd1: {  	v22 =	vld [tilespmem:$0x360];
	v52 =	vshll.u32 v19, $0x1;
	v4 =	vor.u32 v5, v4;
	v6 =	vshll.u32 v6, $0x1E  }
0xd2: {  	v5 =	vshll.u32 v56, $0xE;
	v2 =	vor.u32 v6, v2;
	v6 =	vshll.u32 v59, $0x11;
	v59 =	vld [tilespmem:$0x1FFE0]  }
0xd3: {  	v19 =	vld [tilespmem:$0xBB0];
	v10 =	vor.u32 v53, v10;
	v4 =	vor.u32 v5, v4;
	v5 =	vshll.u32 v57, $0xF  }
0xd4: {  	v55 =	vshll.u32 v24, $0xA;
	v24 =	vld [tilespmem:$0x3D0];
	v4 =	vor.u32 v5, v4;
	v5 =	vshll.u32 v58, $0x10  }
0xd5: {  	v53 =	vshll.u32 v41, $0x18;
	v41 =	vld [tilespmem:$0x1B0];
	v10 =	vor.u32 v54, v10;
	v4 =	vor.u32 v5, v4  }
0xd6: {  	v56 =	vshll.u32 v25, $0xB;
	v25 =	vld [tilespmem:$0x440];
	v54 =	vshll.u32 v15, $0x3;
	v4 =	vor.u32 v6, v4  }
0xd7: {  	v15 =	vld [tilespmem:$0xAD0];
	v10 =	vor.u32 v55, v10;
	v62 =	vor.u32 v60, v4;
	v45 =	vshll.u32 v59, $0x1F  }
0xd8: {  	v58 =	vshll.u32 v26, $0xC;
	v26 =	vld [tilespmem:$0x590];
	v2 =	vor.u32 v45, v2;
	v45 =	vor.u32 v63, v62  }
0xd9: {  	v57 =	vor.u32 v56, v10;
	v10 =	vor.u32 v17, v52;
	v17 =	vld [tilespmem:$0xA60];
	v45 =	vor.u32 v48, v45  }
0xda: {  	v50 =	vshll.u32 v38, $0x16;
	v56 =	vshll.u32 v18, $0x4;
	v18 =	vld [tilespmem:$0xB40];
	v43 =	vor.u32 v43, v45  }
0xdb: {  	v47 =	vshll.u32 v47, $0x11;
	v51 =	vshll.u32 v40, $0x17;
	v5 =	vld [tilespmem:$0xC80];
	v39 =	vor.u32 v39, v43  }
0xdc: {  	v12 =	vshll.u32 v12, $0xA;
	v10 =	vor.u32 v13, v10;
	v6 =	vld [tilespmem:$0xCF0];
	v37 =	vor.u32 v37, v39  }
0xdd: {  	v55 =	vshll.u32 v44, $0x19;
	v10 =	vor.u32 v54, v10;
	v4 =	vld [tilespmem:$0xD60];
	v9 =	vor.u32 v9, v37  }
0xde: {  	v60 =	vshll.u32 v27, $0xD;
	v27 =	vld [tilespmem:$0x520];
	v3 =	vor.u32 v3, v9;
	v9 =	vor.u32 v58, v57  }
0xdf: {  	v10 =	vor.u32 v56, v10;
	v59 =	vshll.u32 v28, $0x1A;
	v28 =	vld [tilespmem:$0x600];
	v9 =	vor.u32 v60, v9  }
0xe0: {  	v62 =	vshll.u32 v30, $0xF;
	v63 =	vshll.u32 v31, $0x10;
	v31 =	vld [tilespmem:$0x8B0];
	v9 =	vor.u32 v61, v9  }
0xe1: {  	v36 =	vshll.u32 v26, $0xC;
	v48 =	vshll.u32 v35, $0x14;
	v35 =	vld [tilespmem:$0x60];
	v9 =	vor.u32 v62, v9  }
0xe2: {  	v6 =	vshll.u32 v6, $0x1D;
	v45 =	vld [tilespmem:$0x750];
	v39 =	vshll.u32 v32, $0x11;
	v9 =	vor.u32 v63, v9  }
0xe3: {  	v34 =	vshll.u32 v27, $0xB;
	v27 =	vld [tilespmem:$0x7D0];
	v43 =	vshll.u32 v33, $0x12;
	v9 =	vor.u32 v39, v9  }
0xe4: {  	v4 =	vshll.u32 v4, $0x1E;
	v33 =	vld [tilespmem:$0x980];
	v37 =	vshll.u32 v42, $0x1C;
	v9 =	vor.u32 v43, v9  }
0xe5: {  	v32 =	vld [tilespmem:$0x8A0];
	v57 =	vshll.u32 v20, $0x5;
	v58 =	vshll.u32 v21, $0x6;
	v9 =	vor.u32 v46, v9  }
0xe6: {  	v42 =	vld [tilespmem:$0x6E0];
	v3 =	vor.u32 v59, v3;
	v10 =	vor.u32 v57, v10;
	v9 =	vor.u32 v48, v9  }
0xe7: {  	v20 =	vld [tilespmem:$0xC20];
	v44 =	vshll.u32 v45, $0x10;
	v3 =	vor.u32 v23, v3;
	v9 =	vor.u32 v49, v9  }
0xe8: {  	v45 =	vld [tilespmem:$0x290];
	v60 =	vor.u32 v58, v10;
	v61 =	vshll.u32 v22, $0x7;
	v9 =	vor.u32 v50, v9  }
0xe9: {  	v57 =	vld [tilespmem:$0x5A0];
	v10 =	vor.u32 v61, v60;
	v62 =	vshll.u32 v24, $0x8;
	v9 =	vor.u32 v51, v9  }
0xea: {  	v23 =	vld [tilespmem:$0x670];
	v10 =	vor.u32 v62, v10;
	v63 =	vshll.u32 v25, $0x9;
	v9 =	vor.u32 v53, v9  }
0xeb: {  	v24 =	vshll.u32 v5, $0x1C;
	v5 =	vld [tilespmem:$0xDE0];
	v10 =	vor.u32 v63, v10;
	v9 =	vor.u32 v55, v9  }
0xec: {  	v3 =	vor.u32 v37, v3;
	v37 =	vld [tilespmem:$0xD0];
	v10 =	vor.u32 v12, v10;
	v59 =	vor.u32 v8, v9  }
0xed: {  	v38 =	vshll.u32 v28, $0xD;
	v61 =	vld [tilespmem:$0x680];
	v10 =	vor.u32 v34, v10;
	v21 =	vor.u32 v7, v59  }
0xee: {  	v3 =	vor.u32 v16, v3;
	v39 =	vld [tilespmem:$0x140];
	v10 =	vor.u32 v36, v10;
	v25 =	vor.u32 v24, v21  }
0xef: {  	v16 =	vld [tilespmem:$0x830];
	v40 =	vshll.u32 v23, $0xE;
	v10 =	vor.u32 v38, v10;
	v6 =	vor.u32 v6, v25  }
0xf0: {  	v42 =	vshll.u32 v42, $0xF;
	v43 =	vld [tilespmem:$0x220];
	v4 =	vor.u32 v4, v6;
	v6 =	vor.u32 v40, v10  }
0xf1: {  	v0 =	vshll.u32 v0, $0x1F;
	v62 =	vshll.u32 v33, $0x15;
	v33 =	vld [tilespmem:$0x920];
	v6 =	vor.u32 v42, v6  }
0xf2: {  	v46 =	vld [tilespmem:$0x300];
	v0 =	vor.u32 v0, v4;
	v4 =	vor.u32 v44, v6;
	v6 =	vshll.u32 v37, $0x1  }
0xf3: {  	v15 =	vshll.u32 v15, $0x18;
	v48 =	vld [tilespmem:$0x370];
	v13 =	vshll.u32 v39, $0x2;
	v6 =	vor.u32 v35, v6  }
0xf4: {  	v17 =	vshll.u32 v17, $0x17;
	v49 =	vshll.u32 v41, $0x3;
	v50 =	vld [tilespmem:$0x3E0];
	v6 =	vor.u32 v13, v6  }
0xf5: {  	v54 =	vshll.u32 v32, $0x13;
	v12 =	vshll.u32 v43, $0x4;
	v51 =	vld [tilespmem:$0x450];
	v6 =	vor.u32 v49, v6  }
0xf6: {  	v3 =	vor.u32 v14, v3;
	v52 =	vshll.u32 v45, $0x5;
	v53 =	vld [tilespmem:$0x4C0];
	v6 =	vor.u32 v12, v6  }
0xf7: {  	v3 =	vor.u32 v11, v3;
	v55 =	vld [tilespmem:$0x530];
	v10 =	vshll.u32 v46, $0x6;
	v6 =	vor.u32 v52, v6  }
0xf8: {  	v14 =	vld [tilespmem:$0x910];
	v26 =	vshll.u32 v57, $0xC;
	v56 =	vshll.u32 v48, $0x7;
	v6 =	vor.u32 v10, v6  }
0xf9: {  	v30 =	vshll.u32 v61, $0xE;
	v58 =	vshll.u32 v50, $0x8;
	v59 =	vld [tilespmem:$0x610];
	v6 =	vor.u32 v56, v6  }
0xfa: {  	v11 =	vld [tilespmem:$0x9F0];
	v36 =	vshll.u32 v27, $0x11;
	v60 =	vshll.u32 v51, $0x9;
	v6 =	vor.u32 v58, v6  }
0xfb: {  	v23 =	vld [tilespmem:$0x6F0];
	v16 =	vshll.u32 v16, $0x12;
	v63 =	vshll.u32 v53, $0xA;
	v6 =	vor.u32 v60, v6  }
0xfc: {  	v38 =	vshll.u32 v18, $0x19;
	v25 =	vld [tilespmem:$0x760];
	v24 =	vshll.u32 v55, $0xB;
	v6 =	vor.u32 v63, v6  }
0xfd: {  	v45 =	vld [tilespmem:$0xB50];
	v41 =	vshll.u32 v31, $0x13;
	v14 =	vshll.u32 v14, $0x14;
	v6 =	vor.u32 v24, v6  }
0xfe: {  	v39 =	vshll.u32 v29, $0x12;
	v9 =	vld [tilespmem:$0xC90];
	v28 =	vshll.u32 v59, $0xD;
	v6 =	vor.u32 v26, v6  }
0xff: {  	v11 =	vshll.u32 v11, $0x16;
	v43 =	vshll.u32 v19, $0x1A;
	v8 =	vld [tilespmem:$0xD00];
	v6 =	vor.u32 v28, v6  }
0x100: {  	v32 =	vshll.u32 v23, $0xF;
	v7 =	vld [tilespmem:$0xD70];
	v4 =	vor.u32 v47, v4;
	v6 =	vor.u32 v30, v6  }
0x101: {  	v35 =	vld [tilespmem:$0x990];
	v4 =	vor.u32 v16, v4;
	v34 =	vshll.u32 v25, $0x10;
	v6 =	vor.u32 v32, v6  }
0x102: {  	v48 =	vshll.u32 v20, $0x1B;
	v37 =	vld [tilespmem:$0xA00];
	v4 =	vor.u32 v54, v4;
	v6 =	vor.u32 v34, v6  }
0x103: {  	v40 =	vld [tilespmem:$0xA70];
	v55 =	vshll.u32 v45, $0x19;
	v4 =	vor.u32 v14, v4;
	v6 =	vor.u32 v36, v6  }
0x104: {  	v42 =	vld [tilespmem:$0xAE0];
	v9 =	vshll.u32 v9, $0x1C;
	v4 =	vor.u32 v62, v4;
	v6 =	vor.u32 v39, v6  }
0x105: {  	v50 =	vld [tilespmem:$0xC30];
	v44 =	vshll.u32 v33, $0x14;
	v4 =	vor.u32 v11, v4;
	v6 =	vor.u32 v41, v6  }
0x106: {  	v47 =	vld [tilespmem:$0xBC0];
	v46 =	vshll.u32 v35, $0x15;
	v4 =	vor.u32 v17, v4;
	v6 =	vor.u32 v44, v6  }
0x107: {  	v59 =	vld [tilespmem:$0x1FFF0];
	v49 =	vshll.u32 v37, $0x16;
	v4 =	vor.u32 v15, v4;
	v6 =	vor.u32 v46, v6  }
0x108: {  	v51 =	vshll.u32 v40, $0x17;
	v52 =	vld [tilespmem:$0xCA0];
	v4 =	vor.u32 v38, v4;
	v6 =	vor.u32 v49, v6  }
0x109: {  	v54 =	vld [tilespmem:$0xD10];
	v53 =	vshll.u32 v42, $0x18;
	v4 =	vor.u32 v43, v4;
	v6 =	vor.u32 v51, v6  }
0x10a: {  	v8 =	vshll.u32 v8, $0x1D;
	v56 =	vld [tilespmem:$0xD80];
	v4 =	vor.u32 v48, v4;
	v6 =	vor.u32 v53, v6  }
0x10b: {  	v57 =	vshll.u32 v47, $0x1A;
	v58 =	vld [tilespmem:$0xDF0];
	v4 =	vor.u32 v9, v4;
	v6 =	vor.u32 v55, v6  }
0x10c: {  	[tilespmem:$0xE10] =	vst v1;
	v60 =	vshll.u32 v50, $0x1B;
	v4 =	vor.u32 v8, v4;
	v6 =	vor.u32 v57, v6  }
0x10d: {  	[tilespmem:$0xE20] =	vst v2;
	v1 =	vor.u32 v60, v6;
	v6 =	vshll.u32 v7, $0x1E;
	v7 =	vshll.u32 v52, $0x1C  }
0x10e: {  	[tilespmem:$0xE30] =	vst v3;
	v2 =	vor.u32 v6, v4;
	v1 =	vor.u32 v7, v1;
	v4 =	vshll.u32 v54, $0x1D  }
0x10f: {  	v3 =	vshll.u32 v5, $0x1F;
	[tilespmem:$0xE40] =	vst v0;
	v1 =	vor.u32 v4, v1;
	v4 =	vshll.u32 v56, $0x1E  }
0x110: {  	[tilespmem:$0xE00] =	vst v59;
	v0 =	vor.u32 v3, v2;
	v2 =	vshll.u32 v58, $0x1F;
	v1 =	vor.u32 v4, v1  }
0x111: {  	[tilespmem:$0xE50] =	vst v0;
	v0 =	vor.u32 v2, v1  }
0x112: {  	[tilespmem:$0xE60] =	vst v0  }
0x113: {  	_ =	swait.ge [sflag:s9], $0x2000  }
0x114: {  	[sflag:s9] =	ssyncset.done $0x0  }
0x115: {  	s13 =	simm.s32 $0xEC0;
	[sflag:s9] =	ssyncadd.s32 $0xFFFFE000  }
0x116: {  	v0 =	vld [tilespmem:s13+$0x30]  }
0x117: {  	v1 =	vld [tilespmem:s13+$0xFFFFFFD0]  }
0x118: {  	v2 =	vld [tilespmem:s13+$0xFFFFFFE0]  }
0x119: {  	v3 =	vld [tilespmem:s13+$0xFFFFFFF0]  }
0x11a: {  	v4 =	vld [tilespmem:s13+$0x0]  }
0x11b: {  	v6 =	vld [tilespmem:s13+$0x10]  }
0x11c: {  	v7 =	vld [tilespmem:s13+$0x20]  }
0x11d: {  	v61 =	vld [tilespmem:s13+$0xFFFFFFC0]  }
0x11e: {  	v62 =	vld.idx.msk [tilespmem:v0+s10+$0x0], $0xffff  }
0x11f: {  	v63 =	vld.idx.msk [tilespmem:v1+s10+$0x0], $0xffff  }
0x120: {  	v5 =	vld.idx.msk [tilespmem:v2+s10+$0x0], $0xffff  }
0x121: {  	v3 =	vld.idx.msk [tilespmem:v3+s10+$0x0], $0xffff  }
0x122: {  	v0 =	vld.idx.msk [tilespmem:v4+s10+$0x0], $0xffff  }
0x123: {  	s13 =	simm.s32 $0x2EC0;
	v1 =	vld.idx.msk [tilespmem:v6+s10+$0x0], $0xffff  }
0x124: {  	v2 =	vld.idx.msk [tilespmem:v7+s10+$0x0], $0xffff;
	[tilespmem:s13+$0x30] =	vst v62  }
0x125: {  	s14 =	simm.s32 $0x0;
	s15 =	simm.s32 $0xF40;
	v4 =	vld.idx.msk [tilespmem:v61+s10+$0x0], $0xffff;
	[tilespmem:s13+$0xFFFFFFD0] =	vst v63  }
.LBB2_2:
0x126: {  	v6 =	vld [tilespmem:s15+$0x30];
	s14 =	sadd.s32 $0x80, s14;
	[tilespmem:s13+$0xFFFFFFE0] =	vst v5  }
0x127: {  	v5 =	vld [tilespmem:s15+$0xFFFFFFD0];
	p0 =	slt.u32 s14, $0x1F80;
	[tilespmem:s13+$0xFFFFFFF0] =	vst v3  }
0x128: {  	v3 =	vld [tilespmem:s15+$0xFFFFFFE0];
	[tilespmem:s13+$0x0] =	vst v0  }
0x129: {  	v0 =	vld [tilespmem:s15+$0xFFFFFFF0];
	[tilespmem:s13+$0x10] =	vst v1  }
0x12a: {  	v1 =	vld [tilespmem:s15+$0x0];
	[tilespmem:s13+$0x20] =	vst v2  }
0x12b: {  	v2 =	vld [tilespmem:s15+$0x10];
	[tilespmem:s13+$0xFFFFFFC0] =	vst v4  }
0x12c: {  	v4 =	vld [tilespmem:s15+$0x20]  }
0x12d: {  	v7 =	vld [tilespmem:s15+$0xFFFFFFC0]  }
0x12e: {  	v6 =	vld.idx.msk [tilespmem:v6+s10+$0x0], $0xffff  }
0x12f: {  	v8 =	vld.idx.msk [tilespmem:v5+s10+$0x0], $0xffff  }
0x130: {  	v5 =	vld.idx.msk [tilespmem:v3+s10+$0x0], $0xffff  }
.Ltmp0:
0x131: {  	v3 =	vld.idx.msk [tilespmem:v0+s10+$0x0], $0xffff;
	(pc) =	sbr.rel @p0 .LBB2_2-.Ltmp0, $4  }
0x132: {  	v0 =	vld.idx.msk [tilespmem:v1+s10+$0x0], $0xffff  }
0x133: {  	s13 =	sadd.s32 $0x80, s13;
	v1 =	vld.idx.msk [tilespmem:v2+s10+$0x0], $0xffff  }
0x134: {  	v2 =	vld.idx.msk [tilespmem:v4+s10+$0x0], $0xffff;
	[tilespmem:s13+$0x30] =	vst v6  }
0x135: {  	s15 =	sadd.s32 $0x80, s15;
	v4 =	vld.idx.msk [tilespmem:v7+s10+$0x0], $0xffff;
	[tilespmem:s13+$0xFFFFFFD0] =	vst v8  }
0x136: {  	[tilespmem:s13+$0xFFFFFFE0] =	vst v5  }
0x137: {  	[tilespmem:s13+$0xFFFFFFF0] =	vst v3  }
0x138: {  	[tilespmem:s13+$0x0] =	vst v0  }
0x139: {  	s12 =	sadd.s32 $0x1, s12;
	[tilespmem:s13+$0x10] =	vst v1  }
0x13a: {  	p0 =	sne.s32 s12, s6;
	[tilespmem:s13+$0x20] =	vst v2  }
.Ltmp1:
0x13b: {  	[tilespmem:s13+$0xFFFFFFC0] =	vst v4;
	(pc) =	sbr.rel @p0 .LBB2_1-.Ltmp1, $4  }
0x13c: {  	[hbm4b:s5+s1] =	stream.linear.scatter [tilespmem:s11], [sflag:$0x2], $0x2000, $0x38;
	[tilespmem:$0x4E80] =	vst v63  }
0x13d: {  	_ =	swait.ge [sflag:s8], $0x2000  }
0x13e: {  	[sflag:s8] =	ssyncset.done $0x0  }
0x13f: {  	[sflag:s8] =	ssyncadd.s32 $0xFFFFE000  }
0x140: {  	_ =	sfence.sel $0x180000  }
0x141: {  	[bflag:$0x0] =	sbarrier.arrive $0xFFFF  }
0x142: {  	p0 =	sne.s32 s2, $0x0;
	_ =	strace $0x90000047  }
0x143: {  	s0 =	sadd.s32 @!p0 $0x100000, s0;
	[bflag:$0x2] =	sbarrier.arrive $0xFFFF  }
0x144: {  	[sflag:s0] =	ssyncadd.tile.s32 @!p0 $0x1;
	_ =	shalt  }
.Lfunc_end2:
_tile_overlayer_lowered:
.L_overlay_start_2:
0x145: {  	(tag) =	ssettag $0x2  }
0x146: {  	s0 =	rddreg [dreg:$0x0];
	s2 =	stileid.u32  }
0x147: {  	s1 =	rddreg [dreg:$0x1];
	p0 =	sne.s32 s2, $0x0  }
0x148: {  	s3 =	rddreg [dreg:$0x2];
	[bflag:$0x3] =	sbarrier.arrive $0xFFFF;
	s2 =	simm.s32 @!p0 $0x1C02  }
0x149: {  	[timem:s3], [sflag:s2] =	dma.local @!p0 [hbm:s0], s1  }
0x14a: {  	s0 =	simm.s32 @!p0 $0x2  }
0x14b: {  	_ =	swait.ge @!p0 [sflag:s0], s1  }
0x14c: {  	s1 =	ssub.s32 @!p0 $0x0, s1;
	[sflag:s0] =	ssyncset.done @!p0 $0x0  }
0x14d: {  	[sflag:s0] =	ssyncadd.s32 @!p0 s1  }
0x14e: {  	[bflag:$0x3] =	sbarrier.arrive $0xFFFF  }
0x14f: {  	_ =	shalt  }

</sc_bundles>
